<compile_context>
chip_gen: v7x
topology: tpu7x:2x2x1
jax: 0.10.2.dev20260603
libtpu: 0.0.44.dev20260713+nightly
codegen_flags: <defaults>
</compile_context>

<pallas_src>
import functools

import jax
import jax.numpy as jnp
from jax import lax
from jax.experimental import pallas as pl
from jax.experimental.pallas import tpu as pltpu
from jax.experimental.pallas import tpu_sc as plsc


def _make_gather(B, V, D):
    info = plsc.get_sparse_core_info()
    NC, NS = info.num_cores, info.num_subcores
    NW = NC * NS
    assert B % NW == 0
    b_per_w = B // NW
    CHUNK = 200
    NBUF = 2
    assert b_per_w % (CHUNK * NBUF) == 0
    n_chunks = b_per_w // CHUNK
    n_groups = n_chunks // NBUF

    mesh = plsc.VectorSubcoreMesh(core_axis_name="c", subcore_axis_name="s")

    @functools.partial(
        pl.kernel,
        mesh=mesh,
        out_type=jax.ShapeDtypeStruct((B, D), jnp.float32),
        scratch_types=[
            pltpu.VMEM((NBUF * CHUNK,), jnp.int32),
            pltpu.VMEM((NBUF, CHUNK, D), jnp.float32),
            pltpu.VMEM_SHARED((V, D), jnp.float32),
            pltpu.SemaphoreType.DMA((NBUF,)),
            pltpu.SemaphoreType.DMA((NBUF,)),
            pltpu.SemaphoreType.DMA((NBUF,)),
        ],
    )
    def gather_kernel(
        items_hbm, table_hbm, out_hbm, idx_v, rows_v, table_sh, sem_g, sem_o, sem_i
    ):
        wid = lax.axis_index("s") * NC + lax.axis_index("c")
        base = wid * b_per_w

        def start_idx(chunk, b):
            idx = idx_v.at[pl.ds(b * CHUNK, CHUNK)]
            pltpu.async_copy(
                items_hbm.at[pl.ds(base + chunk * CHUNK, CHUNK)], idx, sem_i.at[b]
            )

        def wait_idx(chunk, b):
            idx = idx_v.at[pl.ds(b * CHUNK, CHUNK)]
            pltpu.make_async_copy(
                items_hbm.at[pl.ds(base + chunk * CHUNK, CHUNK)], idx, sem_i.at[b]
            ).wait()

        def start_gather(chunk, b):
            idx = idx_v.at[pl.ds(b * CHUNK, CHUNK)]
            return pltpu.async_copy(table_sh.at[idx], rows_v.at[b], sem_g.at[b])

        def wait_gather(chunk, b):
            idx = idx_v.at[pl.ds(b * CHUNK, CHUNK)]
            pltpu.make_async_copy(table_sh.at[idx], rows_v.at[b], sem_g.at[b]).wait()

        def start_out(chunk, b):
            dst = out_hbm.at[pl.ds(base + chunk * CHUNK, CHUNK)]
            return pltpu.async_copy(rows_v.at[b], dst, sem_o.at[b])

        def wait_out(chunk, b):
            dst = out_hbm.at[pl.ds(base + chunk * CHUNK, CHUNK)]
            pltpu.make_async_copy(rows_v.at[b], dst, sem_o.at[b]).wait()

        for b in range(NBUF):
            start_idx(b, b)
        sid = lax.axis_index("s")
        v_per_s = V // NS
        pltpu.sync_copy(
            table_hbm.at[pl.ds(sid * v_per_s, v_per_s)],
            table_sh.at[pl.ds(sid * v_per_s, v_per_s)],
        )
        plsc.subcore_barrier()
        for b in range(NBUF):
            wait_idx(b, b)
            start_gather(b, b)

        def group_body(g, carry):
            for b in range(NBUF):
                i = g * NBUF + b
                wait_gather(i, b)
                start_idx(i + NBUF, b)
                start_out(i, b)
                wait_out(i, b)
                wait_idx(i + NBUF, b)
                start_gather(i + NBUF, b)
            return carry

        lax.fori_loop(0, n_groups - 1, group_body, 0)

        for b in range(NBUF):
            i = (n_groups - 1) * NBUF + b
            wait_gather(i, b)
            start_out(i, b)
            wait_out(i, b)

    return gather_kernel


def kernel(items, embed):
    B = items.shape[0]
    V, D = embed.shape
    items = items.astype(jnp.int32)
    embed = embed.astype(jnp.float32)
    return _make_gather(B, V, D)(items, embed)

# --- scband reference (transcript-rebuilt; emitter-appended) ---
"""Pipeline reference for scband-sin-cos-position-embed1-d-2508260901542 (READ-ONLY COPY).

The authoritative reference and input builder live on the scoring server;
editing this copy changes nothing except your own understanding.
"""

import jax, jax.numpy as jnp
import numpy as np
import math

EMBED_DIM = 128
MAX_PERIOD = 10000
STEP = 1
FLIP = False
CACHE_SIZE = 8192
N_ITEMS = 819200


def cal_1d_sincos_embed(items, embed_dim, max_period=10000, step=1, flip=False):
    half_of_dim = embed_dim // 2
    freqs = jnp.arange(0, half_of_dim, step, dtype=jnp.float32)
    freqs = jnp.exp(-math.log(max_period) * freqs / half_of_dim)
    freqs = items[:, None].astype(jnp.float32) * freqs[None, :]
    cos, sin = jnp.cos(freqs), jnp.sin(freqs)
    if flip:
        embed = jnp.concatenate([cos, sin], axis=-1)
    else:
        embed = jnp.concatenate([sin, cos], axis=-1)
    return embed


def setup_inputs(seed: int = 0) -> dict:
    key = jax.random.key(seed)
    items = jax.random.randint(key, (N_ITEMS,), 0, CACHE_SIZE)
    # Precomputed cache buffer (registered buffer 'embed' in the torch module)
    cache_items = jnp.arange(CACHE_SIZE)
    embed = cal_1d_sincos_embed(cache_items, EMBED_DIM, MAX_PERIOD, STEP, FLIP)
    return {"items": items, "embed": embed}


def reference(items, embed):
    # cache1d=True, items are ints with max < size, so the cached-gather path is taken:
    # embed = self.embed[items]
    out = jnp.take(embed, items, axis=0)
    return out

if __name__ == "__main__":
    import jax
    _d = setup_inputs()
    print(jax.jit(kernel)(*tuple(_d.values())))

</pallas_src>

<mosaic_0001>
#map = affine_map<(d0, d1) -> (0)>
#map1 = affine_map<(d0, d1) -> (0, 0)>
module attributes {stable_mosaic.version = 14 : i64} {
  func.func @gather_kernel(%arg0: i32, %arg1: i32, %arg2: memref<819200xi32, #tpu.memory_space<hbm>>, %arg3: memref<8192x128xf32, #tpu.memory_space<hbm>>, %arg4: memref<819200x128xf32, #tpu.memory_space<hbm>>, %arg5: memref<400xi32, #tpu.memory_space<vmem>>, %arg6: memref<2x200x128xf32, #tpu.memory_space<vmem>>, %arg7: memref<8192x128xf32, #tpu.memory_space<vmem_shared>>, %arg8: memref<2x!tpu.dma_semaphore, #tpu.memory_space<semaphore_mem>>, %arg9: memref<2x!tpu.dma_semaphore, #tpu.memory_space<semaphore_mem>>, %arg10: memref<2x!tpu.dma_semaphore, #tpu.memory_space<semaphore_mem>>) attributes {dimension_semantics = [#tpu.dimension_semantics<core_parallel>, #tpu.dimension_semantics<subcore_parallel>], iteration_bounds = array<i64: 2, 16>, scalar_prefetch = 0 : i64, scratch_operands = 6 : i64, tpu.core_type = #tpu.core_type<sc_vector_subcore>, window_params = [{transform_indices = #map}, {transform_indices = #map1}, {transform_indices = #map1}]} {
    %mul3A = arith.constant 2 : i32
    %mul3A_0 = arith.muli %arg1, %mul3A : i32
    %add3A = arith.addi %mul3A_0, %arg0 : i32
    %mul3A_1 = arith.constant 25600 : i32
    %mul3A_2 = arith.muli %add3A, %mul3A_1 : i32
    %add3A_3 = arith.constant 0 : i32
    %add3A_4 = arith.addi %mul3A_2, %add3A_3 : i32
    %dma_start3A = arith.constant 0 : i32
    %dma_start3A_5 = arith.constant 0 : i32
    %dma_start3A_6 = tpu.memref_slice %arg5[%dma_start3A_5] : memref<400xi32, #tpu.memory_space<vmem>> -> memref<200xi32, #tpu.memory_space<vmem>>
    %dma_start3A_7 = tpu.memref_slice %arg2[%add3A_4] : memref<819200xi32, #tpu.memory_space<hbm>> -> memref<200xi32, #tpu.memory_space<hbm>>
    %dma_start3A_8 = tpu.memref_slice %arg10[%dma_start3A] : memref<2x!tpu.dma_semaphore, #tpu.memory_space<semaphore_mem>> -> memref<1x!tpu.dma_semaphore, #tpu.memory_space<semaphore_mem>>
    %dma_start3A_9 = tpu.memref_squeeze %dma_start3A_8 : memref<1x!tpu.dma_semaphore, #tpu.memory_space<semaphore_mem>> -> memref<!tpu.dma_semaphore, #tpu.memory_space<semaphore_mem>>
    %dma_start3A_10 = arith.constant 0 : i32
    %dma_start3A_11 = tpu.memref_slice %arg5[%dma_start3A_10] : memref<400xi32, #tpu.memory_space<vmem>> -> memref<200xi32, #tpu.memory_space<vmem>>
    %dma_start3A_12 = tpu.memref_slice %arg2[%add3A_4] : memref<819200xi32, #tpu.memory_space<hbm>> -> memref<200xi32, #tpu.memory_space<hbm>>
    tpu.enqueue_dma source(%dma_start3A_12 : memref<200xi32, #tpu.memory_space<hbm>>) target(%dma_start3A_11 : memref<200xi32, #tpu.memory_space<vmem>>) target_semaphore(%dma_start3A_9 : memref<!tpu.dma_semaphore, #tpu.memory_space<semaphore_mem>>)
    %add3A_13 = arith.constant 200 : i32
    %add3A_14 = arith.addi %mul3A_2, %add3A_13 : i32
    %dma_start3A_15 = arith.constant 1 : i32
    %dma_start3A_16 = arith.constant 200 : i32
    %dma_start3A_17 = tpu.memref_slice %arg5[%dma_start3A_16] : memref<400xi32, #tpu.memory_space<vmem>> -> memref<200xi32, #tpu.memory_space<vmem>>
    %dma_start3A_18 = tpu.memref_slice %arg2[%add3A_14] : memref<819200xi32, #tpu.memory_space<hbm>> -> memref<200xi32, #tpu.memory_space<hbm>>
    %dma_start3A_19 = tpu.memref_slice %arg10[%dma_start3A_15] : memref<2x!tpu.dma_semaphore, #tpu.memory_space<semaphore_mem>> -> memref<1x!tpu.dma_semaphore, #tpu.memory_space<semaphore_mem>>
    %dma_start3A_20 = tpu.memref_squeeze %dma_start3A_19 : memref<1x!tpu.dma_semaphore, #tpu.memory_space<semaphore_mem>> -> memref<!tpu.dma_semaphore, #tpu.memory_space<semaphore_mem>>
    %dma_start3A_21 = arith.constant 200 : i32
    %dma_start3A_22 = tpu.memref_slice %arg5[%dma_start3A_21] : memref<400xi32, #tpu.memory_space<vmem>> -> memref<200xi32, #tpu.memory_space<vmem>>
    %dma_start3A_23 = tpu.memref_slice %arg2[%add3A_14] : memref<819200xi32, #tpu.memory_space<hbm>> -> memref<200xi32, #tpu.memory_space<hbm>>
    tpu.enqueue_dma source(%dma_start3A_23 : memref<200xi32, #tpu.memory_space<hbm>>) target(%dma_start3A_22 : memref<200xi32, #tpu.memory_space<vmem>>) target_semaphore(%dma_start3A_20 : memref<!tpu.dma_semaphore, #tpu.memory_space<semaphore_mem>>)
    %mul3A_24 = arith.constant 512 : i32
    %mul3A_25 = arith.muli %arg1, %mul3A_24 : i32
    %mul3A_26 = arith.constant 512 : i32
    %mul3A_27 = arith.muli %arg1, %mul3A_26 : i32
    "tpu.region"() ({
      %run_scoped3A = tpu.sem_alloc : memref<!tpu.dma_semaphore, #tpu.memory_space<semaphore_mem>>
      %dma_start3A_178 = arith.constant 0 : i32
      %dma_start3A_179 = tpu.memref_slice %arg7[%mul3A_27, %dma_start3A_178] : memref<8192x128xf32, #tpu.memory_space<vmem_shared>> -> memref<512x128xf32, #tpu.memory_space<vmem_shared>>
      %dma_start3A_180 = arith.constant 0 : i32
      %dma_start3A_181 = tpu.memref_slice %arg3[%mul3A_25, %dma_start3A_180] : memref<8192x128xf32, #tpu.memory_space<hbm>> -> memref<512x128xf32, #tpu.memory_space<hbm>>
      tpu.enqueue_dma source(%dma_start3A_181 : memref<512x128xf32, #tpu.memory_space<hbm>>) target(%dma_start3A_179 : memref<512x128xf32, #tpu.memory_space<vmem_shared>>) target_semaphore(%run_scoped3A : memref<!tpu.dma_semaphore, #tpu.memory_space<semaphore_mem>>)
      %dma_wait3A_182 = arith.constant 0 : i32
      %dma_wait3A_183 = tpu.memref_slice %arg7[%mul3A_27, %dma_wait3A_182] : memref<8192x128xf32, #tpu.memory_space<vmem_shared>> -> memref<512x128xf32, #tpu.memory_space<vmem_shared>>
      %dma_wait3A_184 = arith.constant 0 : i32
      %dma_wait3A_185 = tpu.memref_slice %arg3[%mul3A_25, %dma_wait3A_184] : memref<8192x128xf32, #tpu.memory_space<hbm>> -> memref<512x128xf32, #tpu.memory_space<hbm>>
      tpu.wait_dma2 semaphore(%run_scoped3A : memref<!tpu.dma_semaphore, #tpu.memory_space<semaphore_mem>>) src(%dma_wait3A_185 : memref<512x128xf32, #tpu.memory_space<hbm>>) dst(%dma_wait3A_183 : memref<512x128xf32, #tpu.memory_space<vmem_shared>>)
      tpu.yield
    }) : () -> ()
    %barrier3A = arith.constant 0 : index
    tpu.barrier barrier_id(%barrier3A)
    %add3A_28 = arith.constant 0 : i32
    %add3A_29 = arith.addi %mul3A_2, %add3A_28 : i32
    %dma_wait3A = arith.constant 0 : i32
    %dma_wait3A_30 = arith.constant 0 : i32
    %dma_wait3A_31 = tpu.memref_slice %arg5[%dma_wait3A_30] : memref<400xi32, #tpu.memory_space<vmem>> -> memref<200xi32, #tpu.memory_space<vmem>>
    %dma_wait3A_32 = tpu.memref_slice %arg2[%add3A_29] : memref<819200xi32, #tpu.memory_space<hbm>> -> memref<200xi32, #tpu.memory_space<hbm>>
    %dma_wait3A_33 = tpu.memref_slice %arg10[%dma_wait3A] : memref<2x!tpu.dma_semaphore, #tpu.memory_space<semaphore_mem>> -> memref<1x!tpu.dma_semaphore, #tpu.memory_space<semaphore_mem>>
    %dma_wait3A_34 = tpu.memref_squeeze %dma_wait3A_33 : memref<1x!tpu.dma_semaphore, #tpu.memory_space<semaphore_mem>> -> memref<!tpu.dma_semaphore, #tpu.memory_space<semaphore_mem>>
    %dma_wait3A_35 = arith.constant 0 : i32
    %dma_wait3A_36 = tpu.memref_slice %arg5[%dma_wait3A_35] : memref<400xi32, #tpu.memory_space<vmem>> -> memref<200xi32, #tpu.memory_space<vmem>>
    %dma_wait3A_37 = tpu.memref_slice %arg2[%add3A_29] : memref<819200xi32, #tpu.memory_space<hbm>> -> memref<200xi32, #tpu.memory_space<hbm>>
    tpu.wait_dma2 semaphore(%dma_wait3A_34 : memref<!tpu.dma_semaphore, #tpu.memory_space<semaphore_mem>>) src(%dma_wait3A_37 : memref<200xi32, #tpu.memory_space<hbm>>) dst(%dma_wait3A_36 : memref<200xi32, #tpu.memory_space<vmem>>)
    %dma_start3A_38 = arith.constant 0 : i32
    %dma_start3A_39 = arith.constant 0 : i32
    %dma_start3A_40 = arith.constant 0 : i32
    %dma_start3A_41 = arith.constant 0 : i32
    %dma_start3A_42 = tpu.memref_slice %arg6[%dma_start3A_38, %dma_start3A_40, %dma_start3A_41] : memref<2x200x128xf32, #tpu.memory_space<vmem>> -> memref<1x200x128xf32, #tpu.memory_space<vmem>>
    %dma_start3A_43 = tpu.memref_squeeze %dma_start3A_42 : memref<1x200x128xf32, #tpu.memory_space<vmem>> -> memref<200x128xf32, #tpu.memory_space<vmem>>
    %dma_start3A_44 = arith.constant 0 : i32
    %dma_start3A_45 = tpu.memref_slice %arg5[%dma_start3A_44] : memref<400xi32, #tpu.memory_space<vmem>> -> memref<200xi32, #tpu.memory_space<vmem>>
    %dma_start3A_46 = arith.constant 0 : i32
    %dma_start3A_47 = arith.constant 0 : i32
    %dma_start3A_48 = tpu.memref_slice %arg7[%dma_start3A_46, %dma_start3A_47] : memref<8192x128xf32, #tpu.memory_space<vmem_shared>> -> memref<8192x128xf32, #tpu.memory_space<vmem_shared>>
    %dma_start3A_49 = tpu.memref_slice %arg8[%dma_start3A_39] : memref<2x!tpu.dma_semaphore, #tpu.memory_space<semaphore_mem>> -> memref<1x!tpu.dma_semaphore, #tpu.memory_space<semaphore_mem>>
    %dma_start3A_50 = tpu.memref_squeeze %dma_start3A_49 : memref<1x!tpu.dma_semaphore, #tpu.memory_space<semaphore_mem>> -> memref<!tpu.dma_semaphore, #tpu.memory_space<semaphore_mem>>
    tpu.enqueue_indirect_dma source(%dma_start3A_48 : memref<8192x128xf32, #tpu.memory_space<vmem_shared>>) target(%dma_start3A_43 : memref<200x128xf32, #tpu.memory_space<vmem>>) offsets(%dma_start3A_45 : memref<200xi32, #tpu.memory_space<vmem>>) semaphore(%dma_start3A_50 : memref<!tpu.dma_semaphore, #tpu.memory_space<semaphore_mem>>)
    %add3A_51 = arith.constant 200 : i32
    %add3A_52 = arith.addi %mul3A_2, %add3A_51 : i32
    %dma_wait3A_53 = arith.constant 1 : i32
    %dma_wait3A_54 = arith.constant 200 : i32
    %dma_wait3A_55 = tpu.memref_slice %arg5[%dma_wait3A_54] : memref<400xi32, #tpu.memory_space<vmem>> -> memref<200xi32, #tpu.memory_space<vmem>>
    %dma_wait3A_56 = tpu.memref_slice %arg2[%add3A_52] : memref<819200xi32, #tpu.memory_space<hbm>> -> memref<200xi32, #tpu.memory_space<hbm>>
    %dma_wait3A_57 = tpu.memref_slice %arg10[%dma_wait3A_53] : memref<2x!tpu.dma_semaphore, #tpu.memory_space<semaphore_mem>> -> memref<1x!tpu.dma_semaphore, #tpu.memory_space<semaphore_mem>>
    %dma_wait3A_58 = tpu.memref_squeeze %dma_wait3A_57 : memref<1x!tpu.dma_semaphore, #tpu.memory_space<semaphore_mem>> -> memref<!tpu.dma_semaphore, #tpu.memory_space<semaphore_mem>>
    %dma_wait3A_59 = arith.constant 200 : i32
    %dma_wait3A_60 = tpu.memref_slice %arg5[%dma_wait3A_59] : memref<400xi32, #tpu.memory_space<vmem>> -> memref<200xi32, #tpu.memory_space<vmem>>
    %dma_wait3A_61 = tpu.memref_slice %arg2[%add3A_52] : memref<819200xi32, #tpu.memory_space<hbm>> -> memref<200xi32, #tpu.memory_space<hbm>>
    tpu.wait_dma2 semaphore(%dma_wait3A_58 : memref<!tpu.dma_semaphore, #tpu.memory_space<semaphore_mem>>) src(%dma_wait3A_61 : memref<200xi32, #tpu.memory_space<hbm>>) dst(%dma_wait3A_60 : memref<200xi32, #tpu.memory_space<vmem>>)
    %dma_start3A_62 = arith.constant 1 : i32
    %dma_start3A_63 = arith.constant 1 : i32
    %dma_start3A_64 = arith.constant 0 : i32
    %dma_start3A_65 = arith.constant 0 : i32
    %dma_start3A_66 = tpu.memref_slice %arg6[%dma_start3A_62, %dma_start3A_64, %dma_start3A_65] : memref<2x200x128xf32, #tpu.memory_space<vmem>> -> memref<1x200x128xf32, #tpu.memory_space<vmem>>
    %dma_start3A_67 = tpu.memref_squeeze %dma_start3A_66 : memref<1x200x128xf32, #tpu.memory_space<vmem>> -> memref<200x128xf32, #tpu.memory_space<vmem>>
    %dma_start3A_68 = arith.constant 200 : i32
    %dma_start3A_69 = tpu.memref_slice %arg5[%dma_start3A_68] : memref<400xi32, #tpu.memory_space<vmem>> -> memref<200xi32, #tpu.memory_space<vmem>>
    %dma_start3A_70 = arith.constant 0 : i32
    %dma_start3A_71 = arith.constant 0 : i32
    %dma_start3A_72 = tpu.memref_slice %arg7[%dma_start3A_70, %dma_start3A_71] : memref<8192x128xf32, #tpu.memory_space<vmem_shared>> -> memref<8192x128xf32, #tpu.memory_space<vmem_shared>>
    %dma_start3A_73 = tpu.memref_slice %arg8[%dma_start3A_63] : memref<2x!tpu.dma_semaphore, #tpu.memory_space<semaphore_mem>> -> memref<1x!tpu.dma_semaphore, #tpu.memory_space<semaphore_mem>>
    %dma_start3A_74 = tpu.memref_squeeze %dma_start3A_73 : memref<1x!tpu.dma_semaphore, #tpu.memory_space<semaphore_mem>> -> memref<!tpu.dma_semaphore, #tpu.memory_space<semaphore_mem>>
    tpu.enqueue_indirect_dma source(%dma_start3A_72 : memref<8192x128xf32, #tpu.memory_space<vmem_shared>>) target(%dma_start3A_67 : memref<200x128xf32, #tpu.memory_space<vmem>>) offsets(%dma_start3A_69 : memref<200xi32, #tpu.memory_space<vmem>>) semaphore(%dma_start3A_74 : memref<!tpu.dma_semaphore, #tpu.memory_space<semaphore_mem>>)
    %scan3A = arith.constant 0 : i32
    %scan3A_75 = arith.constant 0 : i32
    %scan3A_76 = arith.constant 63 : i32
    %scan3A_77 = arith.addi %scan3A_75, %scan3A_76 : i32
    %scan3A_78 = arith.constant 1 : i32
    scf.for %scan3A_178 = %scan3A_75 to %scan3A_77 step %scan3A_78  : i32 {
      %mul3A_179 = arith.constant 2 : i32
      %mul3A_180 = arith.muli %scan3A_178, %mul3A_179 : i32
      %add3A_181 = arith.constant 0 : i32
      %add3A_182 = arith.addi %mul3A_180, %add3A_181 : i32
      %dma_wait3A_183 = arith.constant 0 : i32
      %dma_wait3A_184 = arith.constant 0 : i32
      %dma_wait3A_185 = arith.constant 0 : i32
      %dma_wait3A_186 = arith.constant 0 : i32
      %dma_wait3A_187 = tpu.memref_slice %arg6[%dma_wait3A_183, %dma_wait3A_185, %dma_wait3A_186] : memref<2x200x128xf32, #tpu.memory_space<vmem>> -> memref<1x200x128xf32, #tpu.memory_space<vmem>>
      %dma_wait3A_188 = tpu.memref_squeeze %dma_wait3A_187 : memref<1x200x128xf32, #tpu.memory_space<vmem>> -> memref<200x128xf32, #tpu.memory_space<vmem>>
      %dma_wait3A_189 = arith.constant 0 : i32
      %dma_wait3A_190 = tpu.memref_slice %arg5[%dma_wait3A_189] : memref<400xi32, #tpu.memory_space<vmem>> -> memref<200xi32, #tpu.memory_space<vmem>>
      %dma_wait3A_191 = arith.constant 0 : i32
      %dma_wait3A_192 = arith.constant 0 : i32
      %dma_wait3A_193 = tpu.memref_slice %arg7[%dma_wait3A_191, %dma_wait3A_192] : memref<8192x128xf32, #tpu.memory_space<vmem_shared>> -> memref<8192x128xf32, #tpu.memory_space<vmem_shared>>
      %dma_wait3A_194 = tpu.memref_slice %arg8[%dma_wait3A_184] : memref<2x!tpu.dma_semaphore, #tpu.memory_space<semaphore_mem>> -> memref<1x!tpu.dma_semaphore, #tpu.memory_space<semaphore_mem>>
      %dma_wait3A_195 = tpu.memref_squeeze %dma_wait3A_194 : memref<1x!tpu.dma_semaphore, #tpu.memory_space<semaphore_mem>> -> memref<!tpu.dma_semaphore, #tpu.memory_space<semaphore_mem>>
      tpu.wait_indirect_dma semaphore(%dma_wait3A_195 : memref<!tpu.dma_semaphore, #tpu.memory_space<semaphore_mem>>) src(%dma_wait3A_193 : memref<8192x128xf32, #tpu.memory_space<vmem_shared>>) dst(%dma_wait3A_188 : memref<200x128xf32, #tpu.memory_space<vmem>>)
      %add3A_196 = arith.constant 2 : i32
      %add3A_197 = arith.addi %add3A_182, %add3A_196 : i32
      %mul3A_198 = arith.constant 200 : i32
      %mul3A_199 = arith.muli %add3A_197, %mul3A_198 : i32
      %add3A_200 = arith.addi %mul3A_2, %mul3A_199 : i32
      %dma_start3A_201 = arith.constant 0 : i32
      %dma_start3A_202 = arith.constant 0 : i32
      %dma_start3A_203 = tpu.memref_slice %arg5[%dma_start3A_202] : memref<400xi32, #tpu.memory_space<vmem>> -> memref<200xi32, #tpu.memory_space<vmem>>
      %dma_start3A_204 = tpu.memref_slice %arg2[%add3A_200] : memref<819200xi32, #tpu.memory_space<hbm>> -> memref<200xi32, #tpu.memory_space<hbm>>
      %dma_start3A_205 = tpu.memref_slice %arg10[%dma_start3A_201] : memref<2x!tpu.dma_semaphore, #tpu.memory_space<semaphore_mem>> -> memref<1x!tpu.dma_semaphore, #tpu.memory_space<semaphore_mem>>
      %dma_start3A_206 = tpu.memref_squeeze %dma_start3A_205 : memref<1x!tpu.dma_semaphore, #tpu.memory_space<semaphore_mem>> -> memref<!tpu.dma_semaphore, #tpu.memory_space<semaphore_mem>>
      %dma_start3A_207 = arith.constant 0 : i32
      %dma_start3A_208 = tpu.memref_slice %arg5[%dma_start3A_207] : memref<400xi32, #tpu.memory_space<vmem>> -> memref<200xi32, #tpu.memory_space<vmem>>
      %dma_start3A_209 = tpu.memref_slice %arg2[%add3A_200] : memref<819200xi32, #tpu.memory_space<hbm>> -> memref<200xi32, #tpu.memory_space<hbm>>
      tpu.enqueue_dma source(%dma_start3A_209 : memref<200xi32, #tpu.memory_space<hbm>>) target(%dma_start3A_208 : memref<200xi32, #tpu.memory_space<vmem>>) target_semaphore(%dma_start3A_206 : memref<!tpu.dma_semaphore, #tpu.memory_space<semaphore_mem>>)
      %mul3A_210 = arith.constant 200 : i32
      %mul3A_211 = arith.muli %add3A_182, %mul3A_210 : i32
      %add3A_212 = arith.addi %mul3A_2, %mul3A_211 : i32
      %dma_start3A_213 = arith.constant 0 : i32
      %dma_start3A_214 = arith.constant 0 : i32
      %dma_start3A_215 = arith.constant 0 : i32
      %dma_start3A_216 = arith.constant 0 : i32
      %dma_start3A_217 = tpu.memref_slice %arg6[%dma_start3A_213, %dma_start3A_215, %dma_start3A_216] : memref<2x200x128xf32, #tpu.memory_space<vmem>> -> memref<1x200x128xf32, #tpu.memory_space<vmem>>
      %dma_start3A_218 = tpu.memref_squeeze %dma_start3A_217 : memref<1x200x128xf32, #tpu.memory_space<vmem>> -> memref<200x128xf32, #tpu.memory_space<vmem>>
      %dma_start3A_219 = arith.constant 0 : i32
      %dma_start3A_220 = tpu.memref_slice %arg4[%add3A_212, %dma_start3A_219] : memref<819200x128xf32, #tpu.memory_space<hbm>> -> memref<200x128xf32, #tpu.memory_space<hbm>>
      %dma_start3A_221 = tpu.memref_slice %arg9[%dma_start3A_214] : memref<2x!tpu.dma_semaphore, #tpu.memory_space<semaphore_mem>> -> memref<1x!tpu.dma_semaphore, #tpu.memory_space<semaphore_mem>>
      %dma_start3A_222 = tpu.memref_squeeze %dma_start3A_221 : memref<1x!tpu.dma_semaphore, #tpu.memory_space<semaphore_mem>> -> memref<!tpu.dma_semaphore, #tpu.memory_space<semaphore_mem>>
      %dma_start3A_223 = arith.constant 0 : i32
      %dma_start3A_224 = tpu.memref_slice %arg4[%add3A_212, %dma_start3A_223] : memref<819200x128xf32, #tpu.memory_space<hbm>> -> memref<200x128xf32, #tpu.memory_space<hbm>>
      %dma_start3A_225 = arith.constant 0 : i32
      %dma_start3A_226 = arith.constant 0 : i32
      %dma_start3A_227 = tpu.memref_slice %arg6[%dma_start3A_213, %dma_start3A_225, %dma_start3A_226] : memref<2x200x128xf32, #tpu.memory_space<vmem>> -> memref<1x200x128xf32, #tpu.memory_space<vmem>>
      %dma_start3A_228 = tpu.memref_squeeze %dma_start3A_227 : memref<1x200x128xf32, #tpu.memory_space<vmem>> -> memref<200x128xf32, #tpu.memory_space<vmem>>
      tpu.enqueue_dma source(%dma_start3A_228 : memref<200x128xf32, #tpu.memory_space<vmem>>) target(%dma_start3A_224 : memref<200x128xf32, #tpu.memory_space<hbm>>) target_semaphore(%dma_start3A_222 : memref<!tpu.dma_semaphore, #tpu.memory_space<semaphore_mem>>)
      %mul3A_229 = arith.constant 200 : i32
      %mul3A_230 = arith.muli %add3A_182, %mul3A_229 : i32
      %add3A_231 = arith.addi %mul3A_2, %mul3A_230 : i32
      %dma_wait3A_232 = arith.constant 0 : i32
      %dma_wait3A_233 = arith.constant 0 : i32
      %dma_wait3A_234 = arith.constant 0 : i32
      %dma_wait3A_235 = arith.constant 0 : i32
      %dma_wait3A_236 = tpu.memref_slice %arg6[%dma_wait3A_232, %dma_wait3A_234, %dma_wait3A_235] : memref<2x200x128xf32, #tpu.memory_space<vmem>> -> memref<1x200x128xf32, #tpu.memory_space<vmem>>
      %dma_wait3A_237 = tpu.memref_squeeze %dma_wait3A_236 : memref<1x200x128xf32, #tpu.memory_space<vmem>> -> memref<200x128xf32, #tpu.memory_space<vmem>>
      %dma_wait3A_238 = arith.constant 0 : i32
      %dma_wait3A_239 = tpu.memref_slice %arg4[%add3A_231, %dma_wait3A_238] : memref<819200x128xf32, #tpu.memory_space<hbm>> -> memref<200x128xf32, #tpu.memory_space<hbm>>
      %dma_wait3A_240 = tpu.memref_slice %arg9[%dma_wait3A_233] : memref<2x!tpu.dma_semaphore, #tpu.memory_space<semaphore_mem>> -> memref<1x!tpu.dma_semaphore, #tpu.memory_space<semaphore_mem>>
      %dma_wait3A_241 = tpu.memref_squeeze %dma_wait3A_240 : memref<1x!tpu.dma_semaphore, #tpu.memory_space<semaphore_mem>> -> memref<!tpu.dma_semaphore, #tpu.memory_space<semaphore_mem>>
      %dma_wait3A_242 = arith.constant 0 : i32
      %dma_wait3A_243 = tpu.memref_slice %arg4[%add3A_231, %dma_wait3A_242] : memref<819200x128xf32, #tpu.memory_space<hbm>> -> memref<200x128xf32, #tpu.memory_space<hbm>>
      %dma_wait3A_244 = arith.constant 0 : i32
      %dma_wait3A_245 = arith.constant 0 : i32
      %dma_wait3A_246 = tpu.memref_slice %arg6[%dma_wait3A_232, %dma_wait3A_244, %dma_wait3A_245] : memref<2x200x128xf32, #tpu.memory_space<vmem>> -> memref<1x200x128xf32, #tpu.memory_space<vmem>>
      %dma_wait3A_247 = tpu.memref_squeeze %dma_wait3A_246 : memref<1x200x128xf32, #tpu.memory_space<vmem>> -> memref<200x128xf32, #tpu.memory_space<vmem>>
      tpu.wait_dma2 semaphore(%dma_wait3A_241 : memref<!tpu.dma_semaphore, #tpu.memory_space<semaphore_mem>>) src(%dma_wait3A_247 : memref<200x128xf32, #tpu.memory_space<vmem>>) dst(%dma_wait3A_243 : memref<200x128xf32, #tpu.memory_space<hbm>>)
      %add3A_248 = arith.constant 2 : i32
      %add3A_249 = arith.addi %add3A_182, %add3A_248 : i32
      %mul3A_250 = arith.constant 200 : i32
      %mul3A_251 = arith.muli %add3A_249, %mul3A_250 : i32
      %add3A_252 = arith.addi %mul3A_2, %mul3A_251 : i32
      %dma_wait3A_253 = arith.constant 0 : i32
      %dma_wait3A_254 = arith.constant 0 : i32
      %dma_wait3A_255 = tpu.memref_slice %arg5[%dma_wait3A_254] : memref<400xi32, #tpu.memory_space<vmem>> -> memref<200xi32, #tpu.memory_space<vmem>>
      %dma_wait3A_256 = tpu.memref_slice %arg2[%add3A_252] : memref<819200xi32, #tpu.memory_space<hbm>> -> memref<200xi32, #tpu.memory_space<hbm>>
      %dma_wait3A_257 = tpu.memref_slice %arg10[%dma_wait3A_253] : memref<2x!tpu.dma_semaphore, #tpu.memory_space<semaphore_mem>> -> memref<1x!tpu.dma_semaphore, #tpu.memory_space<semaphore_mem>>
      %dma_wait3A_258 = tpu.memref_squeeze %dma_wait3A_257 : memref<1x!tpu.dma_semaphore, #tpu.memory_space<semaphore_mem>> -> memref<!tpu.dma_semaphore, #tpu.memory_space<semaphore_mem>>
      %dma_wait3A_259 = arith.constant 0 : i32
      %dma_wait3A_260 = tpu.memref_slice %arg5[%dma_wait3A_259] : memref<400xi32, #tpu.memory_space<vmem>> -> memref<200xi32, #tpu.memory_space<vmem>>
      %dma_wait3A_261 = tpu.memref_slice %arg2[%add3A_252] : memref<819200xi32, #tpu.memory_space<hbm>> -> memref<200xi32, #tpu.memory_space<hbm>>
      tpu.wait_dma2 semaphore(%dma_wait3A_258 : memref<!tpu.dma_semaphore, #tpu.memory_space<semaphore_mem>>) src(%dma_wait3A_261 : memref<200xi32, #tpu.memory_space<hbm>>) dst(%dma_wait3A_260 : memref<200xi32, #tpu.memory_space<vmem>>)
      %add3A_262 = arith.constant 2 : i32
      %add3A_263 = arith.addi %add3A_182, %add3A_262 : i32
      %dma_start3A_264 = arith.constant 0 : i32
      %dma_start3A_265 = arith.constant 0 : i32
      %dma_start3A_266 = arith.constant 0 : i32
      %dma_start3A_267 = arith.constant 0 : i32
      %dma_start3A_268 = tpu.memref_slice %arg6[%dma_start3A_264, %dma_start3A_266, %dma_start3A_267] : memref<2x200x128xf32, #tpu.memory_space<vmem>> -> memref<1x200x128xf32, #tpu.memory_space<vmem>>
      %dma_start3A_269 = tpu.memref_squeeze %dma_start3A_268 : memref<1x200x128xf32, #tpu.memory_space<vmem>> -> memref<200x128xf32, #tpu.memory_space<vmem>>
      %dma_start3A_270 = arith.constant 0 : i32
      %dma_start3A_271 = tpu.memref_slice %arg5[%dma_start3A_270] : memref<400xi32, #tpu.memory_space<vmem>> -> memref<200xi32, #tpu.memory_space<vmem>>
      %dma_start3A_272 = arith.constant 0 : i32
      %dma_start3A_273 = arith.constant 0 : i32
      %dma_start3A_274 = tpu.memref_slice %arg7[%dma_start3A_272, %dma_start3A_273] : memref<8192x128xf32, #tpu.memory_space<vmem_shared>> -> memref<8192x128xf32, #tpu.memory_space<vmem_shared>>
      %dma_start3A_275 = tpu.memref_slice %arg8[%dma_start3A_265] : memref<2x!tpu.dma_semaphore, #tpu.memory_space<semaphore_mem>> -> memref<1x!tpu.dma_semaphore, #tpu.memory_space<semaphore_mem>>
      %dma_start3A_276 = tpu.memref_squeeze %dma_start3A_275 : memref<1x!tpu.dma_semaphore, #tpu.memory_space<semaphore_mem>> -> memref<!tpu.dma_semaphore, #tpu.memory_space<semaphore_mem>>
      tpu.enqueue_indirect_dma source(%dma_start3A_274 : memref<8192x128xf32, #tpu.memory_space<vmem_shared>>) target(%dma_start3A_269 : memref<200x128xf32, #tpu.memory_space<vmem>>) offsets(%dma_start3A_271 : memref<200xi32, #tpu.memory_space<vmem>>) semaphore(%dma_start3A_276 : memref<!tpu.dma_semaphore, #tpu.memory_space<semaphore_mem>>)
      %mul3A_277 = arith.constant 2 : i32
      %mul3A_278 = arith.muli %scan3A_178, %mul3A_277 : i32
      %add3A_279 = arith.constant 1 : i32
      %add3A_280 = arith.addi %mul3A_278, %add3A_279 : i32
      %dma_wait3A_281 = arith.constant 1 : i32
      %dma_wait3A_282 = arith.constant 1 : i32
      %dma_wait3A_283 = arith.constant 0 : i32
      %dma_wait3A_284 = arith.constant 0 : i32
      %dma_wait3A_285 = tpu.memref_slice %arg6[%dma_wait3A_281, %dma_wait3A_283, %dma_wait3A_284] : memref<2x200x128xf32, #tpu.memory_space<vmem>> -> memref<1x200x128xf32, #tpu.memory_space<vmem>>
      %dma_wait3A_286 = tpu.memref_squeeze %dma_wait3A_285 : memref<1x200x128xf32, #tpu.memory_space<vmem>> -> memref<200x128xf32, #tpu.memory_space<vmem>>
      %dma_wait3A_287 = arith.constant 200 : i32
      %dma_wait3A_288 = tpu.memref_slice %arg5[%dma_wait3A_287] : memref<400xi32, #tpu.memory_space<vmem>> -> memref<200xi32, #tpu.memory_space<vmem>>
      %dma_wait3A_289 = arith.constant 0 : i32
      %dma_wait3A_290 = arith.constant 0 : i32
      %dma_wait3A_291 = tpu.memref_slice %arg7[%dma_wait3A_289, %dma_wait3A_290] : memref<8192x128xf32, #tpu.memory_space<vmem_shared>> -> memref<8192x128xf32, #tpu.memory_space<vmem_shared>>
      %dma_wait3A_292 = tpu.memref_slice %arg8[%dma_wait3A_282] : memref<2x!tpu.dma_semaphore, #tpu.memory_space<semaphore_mem>> -> memref<1x!tpu.dma_semaphore, #tpu.memory_space<semaphore_mem>>
      %dma_wait3A_293 = tpu.memref_squeeze %dma_wait3A_292 : memref<1x!tpu.dma_semaphore, #tpu.memory_space<semaphore_mem>> -> memref<!tpu.dma_semaphore, #tpu.memory_space<semaphore_mem>>
      tpu.wait_indirect_dma semaphore(%dma_wait3A_293 : memref<!tpu.dma_semaphore, #tpu.memory_space<semaphore_mem>>) src(%dma_wait3A_291 : memref<8192x128xf32, #tpu.memory_space<vmem_shared>>) dst(%dma_wait3A_286 : memref<200x128xf32, #tpu.memory_space<vmem>>)
      %add3A_294 = arith.constant 2 : i32
      %add3A_295 = arith.addi %add3A_280, %add3A_294 : i32
      %mul3A_296 = arith.constant 200 : i32
      %mul3A_297 = arith.muli %add3A_295, %mul3A_296 : i32
      %add3A_298 = arith.addi %mul3A_2, %mul3A_297 : i32
      %dma_start3A_299 = arith.constant 1 : i32
      %dma_start3A_300 = arith.constant 200 : i32
      %dma_start3A_301 = tpu.memref_slice %arg5[%dma_start3A_300] : memref<400xi32, #tpu.memory_space<vmem>> -> memref<200xi32, #tpu.memory_space<vmem>>
      %dma_start3A_302 = tpu.memref_slice %arg2[%add3A_298] : memref<819200xi32, #tpu.memory_space<hbm>> -> memref<200xi32, #tpu.memory_space<hbm>>
      %dma_start3A_303 = tpu.memref_slice %arg10[%dma_start3A_299] : memref<2x!tpu.dma_semaphore, #tpu.memory_space<semaphore_mem>> -> memref<1x!tpu.dma_semaphore, #tpu.memory_space<semaphore_mem>>
      %dma_start3A_304 = tpu.memref_squeeze %dma_start3A_303 : memref<1x!tpu.dma_semaphore, #tpu.memory_space<semaphore_mem>> -> memref<!tpu.dma_semaphore, #tpu.memory_space<semaphore_mem>>
      %dma_start3A_305 = arith.constant 200 : i32
      %dma_start3A_306 = tpu.memref_slice %arg5[%dma_start3A_305] : memref<400xi32, #tpu.memory_space<vmem>> -> memref<200xi32, #tpu.memory_space<vmem>>
      %dma_start3A_307 = tpu.memref_slice %arg2[%add3A_298] : memref<819200xi32, #tpu.memory_space<hbm>> -> memref<200xi32, #tpu.memory_space<hbm>>
      tpu.enqueue_dma source(%dma_start3A_307 : memref<200xi32, #tpu.memory_space<hbm>>) target(%dma_start3A_306 : memref<200xi32, #tpu.memory_space<vmem>>) target_semaphore(%dma_start3A_304 : memref<!tpu.dma_semaphore, #tpu.memory_space<semaphore_mem>>)
      %mul3A_308 = arith.constant 200 : i32
      %mul3A_309 = arith.muli %add3A_280, %mul3A_308 : i32
      %add3A_310 = arith.addi %mul3A_2, %mul3A_309 : i32
      %dma_start3A_311 = arith.constant 1 : i32
      %dma_start3A_312 = arith.constant 1 : i32
      %dma_start3A_313 = arith.constant 0 : i32
      %dma_start3A_314 = arith.constant 0 : i32
      %dma_start3A_315 = tpu.memref_slice %arg6[%dma_start3A_311, %dma_start3A_313, %dma_start3A_314] : memref<2x200x128xf32, #tpu.memory_space<vmem>> -> memref<1x200x128xf32, #tpu.memory_space<vmem>>
      %dma_start3A_316 = tpu.memref_squeeze %dma_start3A_315 : memref<1x200x128xf32, #tpu.memory_space<vmem>> -> memref<200x128xf32, #tpu.memory_space<vmem>>
      %dma_start3A_317 = arith.constant 0 : i32
      %dma_start3A_318 = tpu.memref_slice %arg4[%add3A_310, %dma_start3A_317] : memref<819200x128xf32, #tpu.memory_space<hbm>> -> memref<200x128xf32, #tpu.memory_space<hbm>>
      %dma_start3A_319 = tpu.memref_slice %arg9[%dma_start3A_312] : memref<2x!tpu.dma_semaphore, #tpu.memory_space<semaphore_mem>> -> memref<1x!tpu.dma_semaphore, #tpu.memory_space<semaphore_mem>>
      %dma_start3A_320 = tpu.memref_squeeze %dma_start3A_319 : memref<1x!tpu.dma_semaphore, #tpu.memory_space<semaphore_mem>> -> memref<!tpu.dma_semaphore, #tpu.memory_space<semaphore_mem>>
      %dma_start3A_321 = arith.constant 0 : i32
      %dma_start3A_322 = tpu.memref_slice %arg4[%add3A_310, %dma_start3A_321] : memref<819200x128xf32, #tpu.memory_space<hbm>> -> memref<200x128xf32, #tpu.memory_space<hbm>>
      %dma_start3A_323 = arith.constant 0 : i32
      %dma_start3A_324 = arith.constant 0 : i32
      %dma_start3A_325 = tpu.memref_slice %arg6[%dma_start3A_311, %dma_start3A_323, %dma_start3A_324] : memref<2x200x128xf32, #tpu.memory_space<vmem>> -> memref<1x200x128xf32, #tpu.memory_space<vmem>>
      %dma_start3A_326 = tpu.memref_squeeze %dma_start3A_325 : memref<1x200x128xf32, #tpu.memory_space<vmem>> -> memref<200x128xf32, #tpu.memory_space<vmem>>
      tpu.enqueue_dma source(%dma_start3A_326 : memref<200x128xf32, #tpu.memory_space<vmem>>) target(%dma_start3A_322 : memref<200x128xf32, #tpu.memory_space<hbm>>) target_semaphore(%dma_start3A_320 : memref<!tpu.dma_semaphore, #tpu.memory_space<semaphore_mem>>)
      %mul3A_327 = arith.constant 200 : i32
      %mul3A_328 = arith.muli %add3A_280, %mul3A_327 : i32
      %add3A_329 = arith.addi %mul3A_2, %mul3A_328 : i32
      %dma_wait3A_330 = arith.constant 1 : i32
      %dma_wait3A_331 = arith.constant 1 : i32
      %dma_wait3A_332 = arith.constant 0 : i32
      %dma_wait3A_333 = arith.constant 0 : i32
      %dma_wait3A_334 = tpu.memref_slice %arg6[%dma_wait3A_330, %dma_wait3A_332, %dma_wait3A_333] : memref<2x200x128xf32, #tpu.memory_space<vmem>> -> memref<1x200x128xf32, #tpu.memory_space<vmem>>
      %dma_wait3A_335 = tpu.memref_squeeze %dma_wait3A_334 : memref<1x200x128xf32, #tpu.memory_space<vmem>> -> memref<200x128xf32, #tpu.memory_space<vmem>>
      %dma_wait3A_336 = arith.constant 0 : i32
      %dma_wait3A_337 = tpu.memref_slice %arg4[%add3A_329, %dma_wait3A_336] : memref<819200x128xf32, #tpu.memory_space<hbm>> -> memref<200x128xf32, #tpu.memory_space<hbm>>
      %dma_wait3A_338 = tpu.memref_slice %arg9[%dma_wait3A_331] : memref<2x!tpu.dma_semaphore, #tpu.memory_space<semaphore_mem>> -> memref<1x!tpu.dma_semaphore, #tpu.memory_space<semaphore_mem>>
      %dma_wait3A_339 = tpu.memref_squeeze %dma_wait3A_338 : memref<1x!tpu.dma_semaphore, #tpu.memory_space<semaphore_mem>> -> memref<!tpu.dma_semaphore, #tpu.memory_space<semaphore_mem>>
      %dma_wait3A_340 = arith.constant 0 : i32
      %dma_wait3A_341 = tpu.memref_slice %arg4[%add3A_329, %dma_wait3A_340] : memref<819200x128xf32, #tpu.memory_space<hbm>> -> memref<200x128xf32, #tpu.memory_space<hbm>>
      %dma_wait3A_342 = arith.constant 0 : i32
      %dma_wait3A_343 = arith.constant 0 : i32
      %dma_wait3A_344 = tpu.memref_slice %arg6[%dma_wait3A_330, %dma_wait3A_342, %dma_wait3A_343] : memref<2x200x128xf32, #tpu.memory_space<vmem>> -> memref<1x200x128xf32, #tpu.memory_space<vmem>>
      %dma_wait3A_345 = tpu.memref_squeeze %dma_wait3A_344 : memref<1x200x128xf32, #tpu.memory_space<vmem>> -> memref<200x128xf32, #tpu.memory_space<vmem>>
      tpu.wait_dma2 semaphore(%dma_wait3A_339 : memref<!tpu.dma_semaphore, #tpu.memory_space<semaphore_mem>>) src(%dma_wait3A_345 : memref<200x128xf32, #tpu.memory_space<vmem>>) dst(%dma_wait3A_341 : memref<200x128xf32, #tpu.memory_space<hbm>>)
      %add3A_346 = arith.constant 2 : i32
      %add3A_347 = arith.addi %add3A_280, %add3A_346 : i32
      %mul3A_348 = arith.constant 200 : i32
      %mul3A_349 = arith.muli %add3A_347, %mul3A_348 : i32
      %add3A_350 = arith.addi %mul3A_2, %mul3A_349 : i32
      %dma_wait3A_351 = arith.constant 1 : i32
      %dma_wait3A_352 = arith.constant 200 : i32
      %dma_wait3A_353 = tpu.memref_slice %arg5[%dma_wait3A_352] : memref<400xi32, #tpu.memory_space<vmem>> -> memref<200xi32, #tpu.memory_space<vmem>>
      %dma_wait3A_354 = tpu.memref_slice %arg2[%add3A_350] : memref<819200xi32, #tpu.memory_space<hbm>> -> memref<200xi32, #tpu.memory_space<hbm>>
      %dma_wait3A_355 = tpu.memref_slice %arg10[%dma_wait3A_351] : memref<2x!tpu.dma_semaphore, #tpu.memory_space<semaphore_mem>> -> memref<1x!tpu.dma_semaphore, #tpu.memory_space<semaphore_mem>>
      %dma_wait3A_356 = tpu.memref_squeeze %dma_wait3A_355 : memref<1x!tpu.dma_semaphore, #tpu.memory_space<semaphore_mem>> -> memref<!tpu.dma_semaphore, #tpu.memory_space<semaphore_mem>>
      %dma_wait3A_357 = arith.constant 200 : i32
      %dma_wait3A_358 = tpu.memref_slice %arg5[%dma_wait3A_357] : memref<400xi32, #tpu.memory_space<vmem>> -> memref<200xi32, #tpu.memory_space<vmem>>
      %dma_wait3A_359 = tpu.memref_slice %arg2[%add3A_350] : memref<819200xi32, #tpu.memory_space<hbm>> -> memref<200xi32, #tpu.memory_space<hbm>>
      tpu.wait_dma2 semaphore(%dma_wait3A_356 : memref<!tpu.dma_semaphore, #tpu.memory_space<semaphore_mem>>) src(%dma_wait3A_359 : memref<200xi32, #tpu.memory_space<hbm>>) dst(%dma_wait3A_358 : memref<200xi32, #tpu.memory_space<vmem>>)
      %add3A_360 = arith.constant 2 : i32
      %add3A_361 = arith.addi %add3A_280, %add3A_360 : i32
      %dma_start3A_362 = arith.constant 1 : i32
      %dma_start3A_363 = arith.constant 1 : i32
      %dma_start3A_364 = arith.constant 0 : i32
      %dma_start3A_365 = arith.constant 0 : i32
      %dma_start3A_366 = tpu.memref_slice %arg6[%dma_start3A_362, %dma_start3A_364, %dma_start3A_365] : memref<2x200x128xf32, #tpu.memory_space<vmem>> -> memref<1x200x128xf32, #tpu.memory_space<vmem>>
      %dma_start3A_367 = tpu.memref_squeeze %dma_start3A_366 : memref<1x200x128xf32, #tpu.memory_space<vmem>> -> memref<200x128xf32, #tpu.memory_space<vmem>>
      %dma_start3A_368 = arith.constant 200 : i32
      %dma_start3A_369 = tpu.memref_slice %arg5[%dma_start3A_368] : memref<400xi32, #tpu.memory_space<vmem>> -> memref<200xi32, #tpu.memory_space<vmem>>
      %dma_start3A_370 = arith.constant 0 : i32
      %dma_start3A_371 = arith.constant 0 : i32
      %dma_start3A_372 = tpu.memref_slice %arg7[%dma_start3A_370, %dma_start3A_371] : memref<8192x128xf32, #tpu.memory_space<vmem_shared>> -> memref<8192x128xf32, #tpu.memory_space<vmem_shared>>
      %dma_start3A_373 = tpu.memref_slice %arg8[%dma_start3A_363] : memref<2x!tpu.dma_semaphore, #tpu.memory_space<semaphore_mem>> -> memref<1x!tpu.dma_semaphore, #tpu.memory_space<semaphore_mem>>
      %dma_start3A_374 = tpu.memref_squeeze %dma_start3A_373 : memref<1x!tpu.dma_semaphore, #tpu.memory_space<semaphore_mem>> -> memref<!tpu.dma_semaphore, #tpu.memory_space<semaphore_mem>>
      tpu.enqueue_indirect_dma source(%dma_start3A_372 : memref<8192x128xf32, #tpu.memory_space<vmem_shared>>) target(%dma_start3A_367 : memref<200x128xf32, #tpu.memory_space<vmem>>) offsets(%dma_start3A_369 : memref<200xi32, #tpu.memory_space<vmem>>) semaphore(%dma_start3A_374 : memref<!tpu.dma_semaphore, #tpu.memory_space<semaphore_mem>>)
    }
    %scan3A_79 = arith.constant 63 : i32
    %dma_wait3A_80 = arith.constant 0 : i32
    %dma_wait3A_81 = arith.constant 0 : i32
    %dma_wait3A_82 = arith.constant 0 : i32
    %dma_wait3A_83 = arith.constant 0 : i32
    %dma_wait3A_84 = tpu.memref_slice %arg6[%dma_wait3A_80, %dma_wait3A_82, %dma_wait3A_83] : memref<2x200x128xf32, #tpu.memory_space<vmem>> -> memref<1x200x128xf32, #tpu.memory_space<vmem>>
    %dma_wait3A_85 = tpu.memref_squeeze %dma_wait3A_84 : memref<1x200x128xf32, #tpu.memory_space<vmem>> -> memref<200x128xf32, #tpu.memory_space<vmem>>
    %dma_wait3A_86 = arith.constant 0 : i32
    %dma_wait3A_87 = tpu.memref_slice %arg5[%dma_wait3A_86] : memref<400xi32, #tpu.memory_space<vmem>> -> memref<200xi32, #tpu.memory_space<vmem>>
    %dma_wait3A_88 = arith.constant 0 : i32
    %dma_wait3A_89 = arith.constant 0 : i32
    %dma_wait3A_90 = tpu.memref_slice %arg7[%dma_wait3A_88, %dma_wait3A_89] : memref<8192x128xf32, #tpu.memory_space<vmem_shared>> -> memref<8192x128xf32, #tpu.memory_space<vmem_shared>>
    %dma_wait3A_91 = tpu.memref_slice %arg8[%dma_wait3A_81] : memref<2x!tpu.dma_semaphore, #tpu.memory_space<semaphore_mem>> -> memref<1x!tpu.dma_semaphore, #tpu.memory_space<semaphore_mem>>
    %dma_wait3A_92 = tpu.memref_squeeze %dma_wait3A_91 : memref<1x!tpu.dma_semaphore, #tpu.memory_space<semaphore_mem>> -> memref<!tpu.dma_semaphore, #tpu.memory_space<semaphore_mem>>
    tpu.wait_indirect_dma semaphore(%dma_wait3A_92 : memref<!tpu.dma_semaphore, #tpu.memory_space<semaphore_mem>>) src(%dma_wait3A_90 : memref<8192x128xf32, #tpu.memory_space<vmem_shared>>) dst(%dma_wait3A_85 : memref<200x128xf32, #tpu.memory_space<vmem>>)
    %add3A_93 = arith.constant 25200 : i32
    %add3A_94 = arith.addi %mul3A_2, %add3A_93 : i32
    %dma_start3A_95 = arith.constant 0 : i32
    %dma_start3A_96 = arith.constant 0 : i32
    %dma_start3A_97 = arith.constant 0 : i32
    %dma_start3A_98 = arith.constant 0 : i32
    %dma_start3A_99 = tpu.memref_slice %arg6[%dma_start3A_95, %dma_start3A_97, %dma_start3A_98] : memref<2x200x128xf32, #tpu.memory_space<vmem>> -> memref<1x200x128xf32, #tpu.memory_space<vmem>>
    %dma_start3A_100 = tpu.memref_squeeze %dma_start3A_99 : memref<1x200x128xf32, #tpu.memory_space<vmem>> -> memref<200x128xf32, #tpu.memory_space<vmem>>
    %dma_start3A_101 = arith.constant 0 : i32
    %dma_start3A_102 = tpu.memref_slice %arg4[%add3A_94, %dma_start3A_101] : memref<819200x128xf32, #tpu.memory_space<hbm>> -> memref<200x128xf32, #tpu.memory_space<hbm>>
    %dma_start3A_103 = tpu.memref_slice %arg9[%dma_start3A_96] : memref<2x!tpu.dma_semaphore, #tpu.memory_space<semaphore_mem>> -> memref<1x!tpu.dma_semaphore, #tpu.memory_space<semaphore_mem>>
    %dma_start3A_104 = tpu.memref_squeeze %dma_start3A_103 : memref<1x!tpu.dma_semaphore, #tpu.memory_space<semaphore_mem>> -> memref<!tpu.dma_semaphore, #tpu.memory_space<semaphore_mem>>
    %dma_start3A_105 = arith.constant 0 : i32
    %dma_start3A_106 = tpu.memref_slice %arg4[%add3A_94, %dma_start3A_105] : memref<819200x128xf32, #tpu.memory_space<hbm>> -> memref<200x128xf32, #tpu.memory_space<hbm>>
    %dma_start3A_107 = arith.constant 0 : i32
    %dma_start3A_108 = arith.constant 0 : i32
    %dma_start3A_109 = tpu.memref_slice %arg6[%dma_start3A_95, %dma_start3A_107, %dma_start3A_108] : memref<2x200x128xf32, #tpu.memory_space<vmem>> -> memref<1x200x128xf32, #tpu.memory_space<vmem>>
    %dma_start3A_110 = tpu.memref_squeeze %dma_start3A_109 : memref<1x200x128xf32, #tpu.memory_space<vmem>> -> memref<200x128xf32, #tpu.memory_space<vmem>>
    tpu.enqueue_dma source(%dma_start3A_110 : memref<200x128xf32, #tpu.memory_space<vmem>>) target(%dma_start3A_106 : memref<200x128xf32, #tpu.memory_space<hbm>>) target_semaphore(%dma_start3A_104 : memref<!tpu.dma_semaphore, #tpu.memory_space<semaphore_mem>>)
    %add3A_111 = arith.constant 25200 : i32
    %add3A_112 = arith.addi %mul3A_2, %add3A_111 : i32
    %dma_wait3A_113 = arith.constant 0 : i32
    %dma_wait3A_114 = arith.constant 0 : i32
    %dma_wait3A_115 = arith.constant 0 : i32
    %dma_wait3A_116 = arith.constant 0 : i32
    %dma_wait3A_117 = tpu.memref_slice %arg6[%dma_wait3A_113, %dma_wait3A_115, %dma_wait3A_116] : memref<2x200x128xf32, #tpu.memory_space<vmem>> -> memref<1x200x128xf32, #tpu.memory_space<vmem>>
    %dma_wait3A_118 = tpu.memref_squeeze %dma_wait3A_117 : memref<1x200x128xf32, #tpu.memory_space<vmem>> -> memref<200x128xf32, #tpu.memory_space<vmem>>
    %dma_wait3A_119 = arith.constant 0 : i32
    %dma_wait3A_120 = tpu.memref_slice %arg4[%add3A_112, %dma_wait3A_119] : memref<819200x128xf32, #tpu.memory_space<hbm>> -> memref<200x128xf32, #tpu.memory_space<hbm>>
    %dma_wait3A_121 = tpu.memref_slice %arg9[%dma_wait3A_114] : memref<2x!tpu.dma_semaphore, #tpu.memory_space<semaphore_mem>> -> memref<1x!tpu.dma_semaphore, #tpu.memory_space<semaphore_mem>>
    %dma_wait3A_122 = tpu.memref_squeeze %dma_wait3A_121 : memref<1x!tpu.dma_semaphore, #tpu.memory_space<semaphore_mem>> -> memref<!tpu.dma_semaphore, #tpu.memory_space<semaphore_mem>>
    %dma_wait3A_123 = arith.constant 0 : i32
    %dma_wait3A_124 = tpu.memref_slice %arg4[%add3A_112, %dma_wait3A_123] : memref<819200x128xf32, #tpu.memory_space<hbm>> -> memref<200x128xf32, #tpu.memory_space<hbm>>
    %dma_wait3A_125 = arith.constant 0 : i32
    %dma_wait3A_126 = arith.constant 0 : i32
    %dma_wait3A_127 = tpu.memref_slice %arg6[%dma_wait3A_113, %dma_wait3A_125, %dma_wait3A_126] : memref<2x200x128xf32, #tpu.memory_space<vmem>> -> memref<1x200x128xf32, #tpu.memory_space<vmem>>
    %dma_wait3A_128 = tpu.memref_squeeze %dma_wait3A_127 : memref<1x200x128xf32, #tpu.memory_space<vmem>> -> memref<200x128xf32, #tpu.memory_space<vmem>>
    tpu.wait_dma2 semaphore(%dma_wait3A_122 : memref<!tpu.dma_semaphore, #tpu.memory_space<semaphore_mem>>) src(%dma_wait3A_128 : memref<200x128xf32, #tpu.memory_space<vmem>>) dst(%dma_wait3A_124 : memref<200x128xf32, #tpu.memory_space<hbm>>)
    %dma_wait3A_129 = arith.constant 1 : i32
    %dma_wait3A_130 = arith.constant 1 : i32
    %dma_wait3A_131 = arith.constant 0 : i32
    %dma_wait3A_132 = arith.constant 0 : i32
    %dma_wait3A_133 = tpu.memref_slice %arg6[%dma_wait3A_129, %dma_wait3A_131, %dma_wait3A_132] : memref<2x200x128xf32, #tpu.memory_space<vmem>> -> memref<1x200x128xf32, #tpu.memory_space<vmem>>
    %dma_wait3A_134 = tpu.memref_squeeze %dma_wait3A_133 : memref<1x200x128xf32, #tpu.memory_space<vmem>> -> memref<200x128xf32, #tpu.memory_space<vmem>>
    %dma_wait3A_135 = arith.constant 200 : i32
    %dma_wait3A_136 = tpu.memref_slice %arg5[%dma_wait3A_135] : memref<400xi32, #tpu.memory_space<vmem>> -> memref<200xi32, #tpu.memory_space<vmem>>
    %dma_wait3A_137 = arith.constant 0 : i32
    %dma_wait3A_138 = arith.constant 0 : i32
    %dma_wait3A_139 = tpu.memref_slice %arg7[%dma_wait3A_137, %dma_wait3A_138] : memref<8192x128xf32, #tpu.memory_space<vmem_shared>> -> memref<8192x128xf32, #tpu.memory_space<vmem_shared>>
    %dma_wait3A_140 = tpu.memref_slice %arg8[%dma_wait3A_130] : memref<2x!tpu.dma_semaphore, #tpu.memory_space<semaphore_mem>> -> memref<1x!tpu.dma_semaphore, #tpu.memory_space<semaphore_mem>>
    %dma_wait3A_141 = tpu.memref_squeeze %dma_wait3A_140 : memref<1x!tpu.dma_semaphore, #tpu.memory_space<semaphore_mem>> -> memref<!tpu.dma_semaphore, #tpu.memory_space<semaphore_mem>>
    tpu.wait_indirect_dma semaphore(%dma_wait3A_141 : memref<!tpu.dma_semaphore, #tpu.memory_space<semaphore_mem>>) src(%dma_wait3A_139 : memref<8192x128xf32, #tpu.memory_space<vmem_shared>>) dst(%dma_wait3A_134 : memref<200x128xf32, #tpu.memory_space<vmem>>)
    %add3A_142 = arith.constant 25400 : i32
    %add3A_143 = arith.addi %mul3A_2, %add3A_142 : i32
    %dma_start3A_144 = arith.constant 1 : i32
    %dma_start3A_145 = arith.constant 1 : i32
    %dma_start3A_146 = arith.constant 0 : i32
    %dma_start3A_147 = arith.constant 0 : i32
    %dma_start3A_148 = tpu.memref_slice %arg6[%dma_start3A_144, %dma_start3A_146, %dma_start3A_147] : memref<2x200x128xf32, #tpu.memory_space<vmem>> -> memref<1x200x128xf32, #tpu.memory_space<vmem>>
    %dma_start3A_149 = tpu.memref_squeeze %dma_start3A_148 : memref<1x200x128xf32, #tpu.memory_space<vmem>> -> memref<200x128xf32, #tpu.memory_space<vmem>>
    %dma_start3A_150 = arith.constant 0 : i32
    %dma_start3A_151 = tpu.memref_slice %arg4[%add3A_143, %dma_start3A_150] : memref<819200x128xf32, #tpu.memory_space<hbm>> -> memref<200x128xf32, #tpu.memory_space<hbm>>
    %dma_start3A_152 = tpu.memref_slice %arg9[%dma_start3A_145] : memref<2x!tpu.dma_semaphore, #tpu.memory_space<semaphore_mem>> -> memref<1x!tpu.dma_semaphore, #tpu.memory_space<semaphore_mem>>
    %dma_start3A_153 = tpu.memref_squeeze %dma_start3A_152 : memref<1x!tpu.dma_semaphore, #tpu.memory_space<semaphore_mem>> -> memref<!tpu.dma_semaphore, #tpu.memory_space<semaphore_mem>>
    %dma_start3A_154 = arith.constant 0 : i32
    %dma_start3A_155 = tpu.memref_slice %arg4[%add3A_143, %dma_start3A_154] : memref<819200x128xf32, #tpu.memory_space<hbm>> -> memref<200x128xf32, #tpu.memory_space<hbm>>
    %dma_start3A_156 = arith.constant 0 : i32
    %dma_start3A_157 = arith.constant 0 : i32
    %dma_start3A_158 = tpu.memref_slice %arg6[%dma_start3A_144, %dma_start3A_156, %dma_start3A_157] : memref<2x200x128xf32, #tpu.memory_space<vmem>> -> memref<1x200x128xf32, #tpu.memory_space<vmem>>
    %dma_start3A_159 = tpu.memref_squeeze %dma_start3A_158 : memref<1x200x128xf32, #tpu.memory_space<vmem>> -> memref<200x128xf32, #tpu.memory_space<vmem>>
    tpu.enqueue_dma source(%dma_start3A_159 : memref<200x128xf32, #tpu.memory_space<vmem>>) target(%dma_start3A_155 : memref<200x128xf32, #tpu.memory_space<hbm>>) target_semaphore(%dma_start3A_153 : memref<!tpu.dma_semaphore, #tpu.memory_space<semaphore_mem>>)
    %add3A_160 = arith.constant 25400 : i32
    %add3A_161 = arith.addi %mul3A_2, %add3A_160 : i32
    %dma_wait3A_162 = arith.constant 1 : i32
    %dma_wait3A_163 = arith.constant 1 : i32
    %dma_wait3A_164 = arith.constant 0 : i32
    %dma_wait3A_165 = arith.constant 0 : i32
    %dma_wait3A_166 = tpu.memref_slice %arg6[%dma_wait3A_162, %dma_wait3A_164, %dma_wait3A_165] : memref<2x200x128xf32, #tpu.memory_space<vmem>> -> memref<1x200x128xf32, #tpu.memory_space<vmem>>
    %dma_wait3A_167 = tpu.memref_squeeze %dma_wait3A_166 : memref<1x200x128xf32, #tpu.memory_space<vmem>> -> memref<200x128xf32, #tpu.memory_space<vmem>>
    %dma_wait3A_168 = arith.constant 0 : i32
    %dma_wait3A_169 = tpu.memref_slice %arg4[%add3A_161, %dma_wait3A_168] : memref<819200x128xf32, #tpu.memory_space<hbm>> -> memref<200x128xf32, #tpu.memory_space<hbm>>
    %dma_wait3A_170 = tpu.memref_slice %arg9[%dma_wait3A_163] : memref<2x!tpu.dma_semaphore, #tpu.memory_space<semaphore_mem>> -> memref<1x!tpu.dma_semaphore, #tpu.memory_space<semaphore_mem>>
    %dma_wait3A_171 = tpu.memref_squeeze %dma_wait3A_170 : memref<1x!tpu.dma_semaphore, #tpu.memory_space<semaphore_mem>> -> memref<!tpu.dma_semaphore, #tpu.memory_space<semaphore_mem>>
    %dma_wait3A_172 = arith.constant 0 : i32
    %dma_wait3A_173 = tpu.memref_slice %arg4[%add3A_161, %dma_wait3A_172] : memref<819200x128xf32, #tpu.memory_space<hbm>> -> memref<200x128xf32, #tpu.memory_space<hbm>>
    %dma_wait3A_174 = arith.constant 0 : i32
    %dma_wait3A_175 = arith.constant 0 : i32
    %dma_wait3A_176 = tpu.memref_slice %arg6[%dma_wait3A_162, %dma_wait3A_174, %dma_wait3A_175] : memref<2x200x128xf32, #tpu.memory_space<vmem>> -> memref<1x200x128xf32, #tpu.memory_space<vmem>>
    %dma_wait3A_177 = tpu.memref_squeeze %dma_wait3A_176 : memref<1x200x128xf32, #tpu.memory_space<vmem>> -> memref<200x128xf32, #tpu.memory_space<vmem>>
    tpu.wait_dma2 semaphore(%dma_wait3A_171 : memref<!tpu.dma_semaphore, #tpu.memory_space<semaphore_mem>>) src(%dma_wait3A_177 : memref<200x128xf32, #tpu.memory_space<vmem>>) dst(%dma_wait3A_173 : memref<200x128xf32, #tpu.memory_space<hbm>>)
    return
  }
}

</mosaic_0001>

<sc_bundles>
// kernel: kernel.3.cloned.1.call-start
scs
__scs_entry_jumppad:
0x0: {  	(pc) =	sbr.rel $0x88, $3  }
0x1: {  	(tag) =	ssettag $0x0;
	lr =	simm.s32 $0x1  }
0x2: {  	[smem:$0x3F9F] =	sst lr;
	_ =	strace $0xD0000000  }
0x3: {  	_ = 	snop  }
0x4: {  	_ = 	snop  }
0x5: {  	_ = 	snop  }
0x6: {  	_ = 	snop  }
0x7: {  	_ = 	snop  }
__scs_overlays_trampoline_lowered:
0x8: {  	[smem:$0x3FAE] =	sst s0  }
0x9: {  	[smem:$0x3FAF] =	sst s1  }
0xa: {  	[smem:$0x3FB0] =	sst s2  }
0xb: {  	[smem:$0x3FB1] =	sst s3  }
0xc: {  	[smem:$0x3FB2] =	sst s4  }
0xd: {  	[smem:$0x3FB3] =	sst s5  }
0xe: {  	[smem:$0x3FB4] =	sst s6  }
0xf: {  	[smem:$0x3FB5] =	sst s7  }
0x10: {  	[smem:$0x3FB6] =	sst s8  }
0x11: {  	[smem:$0x3FB7] =	sst s9;
	s0 =	simm.s32 @!p0 $0x0  }
0x12: {  	s1 =	sld [smem:$0x3F9D];
	s0 =	simm.s32 @p0 $0x1  }
0x13: {  	[smem:$0x3FB8] =	sst s0;
	s0 =	simm.s32 @!p1 $0x0  }
0x14: {  	s2 =	sld [smem:$0x3F9C];
	s0 =	simm.s32 @p1 $0x1  }
0x15: {  	[smem:$0x3FB9] =	sst s0;
	s0 =	simm.s32 @!p2 $0x0  }
0x16: {  	s3 =	sld [smem:$0x3FDB];
	s0 =	simm.s32 @p2 $0x1  }
0x17: {  	s4 =	simm.s32 $0x1BF5;
	[smem:$0x3FBB] =	sst s0  }
0x18: {  	s0 =	sld [smem:$0x3F9E];
	_ =	swait.ge [sflag:s4], $0x0  }
0x19: {  	s7 =	sld [smem:$0x3F9F]  }
0x1a: {  	s8 =	sadd.s32 $0xFFFFE003, lr  }
0x1b: {  	s9 =	sadd.s32 $0xFFFFFEF7, lr;
	s5 =	simm.s32 $0xFFFFFFFF;
	p2 =	slt.u32 s8, $0xFFFFF086  }
0x1c: {  	p1 =	slt.u32 s9, $0xF7A;
	s5 =	simm.s32 @!p2 $0x0  }
0x1d: {  	s5 =	simm.s32 @p1 $0x1;
	p0 =	seq.s32 s7, s2  }
0x1e: {  	s7 =	smul.u32 @!p0 $0xF7A, s2;
	p2 =	seq.s32 @!p0 s5, $0x0  }
0x1f: {  	s9 =	smul.u32 $0xF7A, s1;
	s8 =	simm.s32 @!p0 $0x1BF5;
	p2 =	por !p2, p0  }
0x20: {  	[sflag:s8] =	ssyncset.s32 @!p0 $0xFFFFF086;
	s6 =	sadd.s32 @!p0 s3, s7;
	s7 =	simm.s32 @!p0 $0x108  }
0x21: {  	s3 =	sadd.s32 s3, s9;
	s6 =	sadd.s32 @!p0 $0x88, s6;
	s7 =	simm.s32 @p2 $0x1082  }
0x22: {  	[simem:s7], [sflag:s8] =	dma.local @!p0 [hbm:s6], $0xF7A  }
0x23: {  	s9 =	sor.u32 $0xD0000000, s2;
	s6 =	simm.s32 $0x108;
	_ =	swait.ge @!p0 [sflag:s8], $0x0  }
0x24: {  	s3 =	sadd.s32 $0x88, s3;
	s6 =	simm.s32 @!p1 $0x1082;
	[sflag:s4] =	ssyncset.s32 $0xFFFFF086  }
0x25: {  	[simem:s6], [sflag:s4] =	dma.local [hbm:s3], $0xF7A  }
0x26: {  	[smem:$0x3F9F] =	sst s1;
	(tag) =	ssettag s2;
	_ =	strace s9  }
0x27: {  	s1 =	sld [smem:$0x3FAF]  }
0x28: {  	s2 =	sld [smem:$0x3FB0]  }
0x29: {  	s4 =	sld [smem:$0x3FB2]  }
0x2a: {  	p0 =	seq.s32 s5, $0x0;
	s5 =	sld [smem:$0x3FB3]  }
0x2b: {  	s6 =	sld [smem:$0x3FB4]  }
0x2c: {  	s7 =	sld [smem:$0x3FB5]  }
0x2d: {  	s3 =	simm.s32 $0x108;
	s8 =	sld [smem:$0x3FB6]  }
0x2e: {  	s3 =	simm.s32 @!p0 $0x1082;
	s9 =	sld [smem:$0x3FB7]  }
0x2f: {  	lr =	sadd.s32 s0, s3;
	s0 =	sld [smem:$0x3FAE]  }
0x30: {  	s3 =	sld [smem:$0x3FB1]  }
0x31: {  	[smem:$0x3FBA] =	sst s10  }
0x32: {  	s10 =	sld [smem:$0x3FB8];
	_ =	sdelay $0x3  }
0x33: {  	p0 =	seq.s32 s10, $0x1;
	s10 =	sld [smem:$0x3FBA];
	_ =	sdelay $0x3  }
0x34: {  	[smem:$0x3FBA] =	sst s10  }
0x35: {  	s10 =	sld [smem:$0x3FB9];
	_ =	sdelay $0x3  }
0x36: {  	p1 =	seq.s32 s10, $0x1;
	s10 =	sld [smem:$0x3FBA];
	_ =	sdelay $0x3  }
0x37: {  	[smem:$0x3FBA] =	sst s10  }
0x38: {  	s10 =	sld [smem:$0x3FBB]  }
0x39: {  	_ = 	snop;
	(pc) =	sbr.ind lr, $3  }
0x3a: {  	_ = 	snop  }
0x3b: {  	_ = 	snop  }
0x3c: {  	p2 =	seq.s32 s10, $0x1;
	s10 =	sld [smem:$0x3FBA]  }
0x3d: {  	_ =	shalt  }
0x3e: {  	_ =	shalt  }
0x3f: {  	_ =	shalt  }
0x40: {  	_ =	shalt  }
0x41: {  	_ =	shalt  }
0x42: {  	_ =	shalt  }
0x43: {  	_ =	shalt  }
0x44: {  	_ =	shalt  }
0x45: {  	_ =	shalt  }
0x46: {  	_ =	shalt  }
0x47: {  	_ =	shalt  }
0x48: {  	_ =	shalt  }
0x49: {  	_ =	shalt  }
0x4a: {  	_ =	shalt  }
0x4b: {  	_ =	shalt  }
0x4c: {  	_ =	shalt  }
0x4d: {  	_ =	shalt  }
0x4e: {  	_ =	shalt  }
0x4f: {  	_ =	shalt  }
0x50: {  	_ =	shalt  }
0x51: {  	_ =	shalt  }
0x52: {  	_ =	shalt  }
0x53: {  	_ =	shalt  }
0x54: {  	_ =	shalt  }
0x55: {  	_ =	shalt  }
0x56: {  	_ =	shalt  }
0x57: {  	_ =	shalt  }
0x58: {  	_ =	shalt  }
0x59: {  	_ =	shalt  }
0x5a: {  	_ =	shalt  }
0x5b: {  	_ =	shalt  }
0x5c: {  	_ =	shalt  }
0x5d: {  	_ =	shalt  }
0x5e: {  	_ =	shalt  }
0x5f: {  	_ =	shalt  }
0x60: {  	_ =	shalt  }
0x61: {  	_ =	shalt  }
0x62: {  	_ =	shalt  }
0x63: {  	_ =	shalt  }
0x64: {  	_ =	shalt  }
0x65: {  	_ =	shalt  }
0x66: {  	_ =	shalt  }
0x67: {  	_ =	shalt  }
0x68: {  	_ =	shalt  }
0x69: {  	_ =	shalt  }
0x6a: {  	_ =	shalt  }
0x6b: {  	_ =	shalt  }
0x6c: {  	_ =	shalt  }
0x6d: {  	_ =	shalt  }
0x6e: {  	_ =	shalt  }
0x6f: {  	_ =	shalt  }
0x70: {  	_ =	shalt  }
0x71: {  	_ =	shalt  }
0x72: {  	_ =	shalt  }
0x73: {  	_ =	shalt  }
0x74: {  	_ =	shalt  }
0x75: {  	_ =	shalt  }
0x76: {  	_ =	shalt  }
0x77: {  	_ =	shalt  }
0x78: {  	_ =	shalt  }
0x79: {  	_ =	shalt  }
0x7a: {  	_ =	shalt  }
0x7b: {  	_ =	shalt  }
0x7c: {  	_ =	shalt  }
0x7d: {  	_ =	shalt  }
0x7e: {  	_ =	shalt  }
0x7f: {  	_ =	shalt  }
0x80: {  	_ =	shalt  }
0x81: {  	_ =	shalt  }
0x82: {  	_ =	shalt  }
0x83: {  	_ =	shalt  }
0x84: {  	_ =	shalt  }
0x85: {  	_ =	shalt  }
0x86: {  	_ =	shalt  }
0x87: {  	_ =	shalt  }
.Lfunc_end0:
.L_simem_size_0:
called_computation_lowered:
.L_overlay_start_0:
0x88: {  	s2 =	sld [smem:$0x3FD9]  }
0x89: {  	s3 =	sld [smem:$0x3FFE];
	_ =	sdelay $0x1  }
0x8a: {  	s1 =	srdreg.scid  }
0x8b: {  	s0 =	sand.u32 $0x1, s1  }
0x8c: {  	s18 =	sshll.u32 s0, $0xA;
	s2 =	sadd.s32 s3, s2  }
0x8d: {  	s2 =	sadd.s32 s2, s18  }
0x8e: {  	[smem:$0x3FC6] =	sst s2  }
0x8f: {  	_ = 	snop  }
0x90: {  	s2 =	sld [smem:$0x3FC9]  }
0x91: {  	s19 =	sld [smem:$0x3FC8]  }
0x92: {  	s4 =	sld [smem:$0x3FD0];
	(tm) =	ssettm $0x1  }
0x93: {  	s5 =	sld [smem:$0x3FFB];
	_ =	sdelay $0x3  }
0x94: {  	_ =	strace s5  }
0x95: {  	s5 =	sld [smem:$0x3FFC];
	_ =	sdelay $0x3  }
0x96: {  	_ =	strace s5  }
0x97: {  	s5 =	sld [smem:$0x3FFD];
	_ =	sdelay $0x3  }
0x98: {  	_ =	strace s5  }
0x99: {  	_ =	strace $0x8FFFFFFF  }
0x9a: {  	s20 =	sld [smem:$0x3FDB];
	_ =	sdelay $0x1  }
0x9b: {  	s6 =	simm.s32 $_scs_section_size  }
0x9c: {  	s7 =	simm.s32 $_size__tile_overlayer_lowered;
	s8 =	simm.s32 $_tile_overlayer_lowered  }
0x9d: {  	s23 =	simm.s32 $0x1BFF;
	s22 =	sshll.u32 s8, $0x1;
	s5 =	sadd.s32 s6, s20  }
0x9e: {  	s9 =	simm.s32 $0x0;
	s21 =	sshll.u32 s7, $0x1;
	s7 =	sadd.s32 s22, s5  }
0x9f: {  	[timem:s9], [sflag:s23] =	dma.local [hbm:s7], s21  }
0xa0: {  	_ =	swait.ge [sflag:s23], s21  }
0xa1: {  	s6 =	ssub.s32 $0x0, s21;
	[sflag:s23] =	ssyncset.done $0x0  }
0xa2: {  	[sflag:s23] =	ssyncadd.s32 s6;
	_ =	sdelay $0x1  }
0xa3: {  	s24 =	simm.s32 $0x1B8B  }
0xa4: {  	_ =	swait.ge [sflag:s24], $0x1  }
0xa5: {  	[sflag:s24] =	ssyncset.done $0x0  }
0xa6: {  	s25 =	simm.s32 $0x1B8E;
	[sflag:s24] =	ssyncadd.s32 $0xFFFFFFFF  }
0xa7: {  	s26 =	simm.s32 $execute0_lowered;
	[smem:$0x3FD2] =	sst s25  }
0xa8: {  	s6 =	sshll.u32 s26, $0x1;
	_ =	strace $0x80000046;
	[dreg:$0x1] =	wrdreg $0xFFFFFFFF  }
0xa9: {  	s28 =	simm.s32 $_size_execute0_lowered;
	s5 =	sadd.s32 s5, s6;
	[dreg:$0x0] =	wrdreg $0x0  }
0xaa: {  	s6 =	sshll.u32 s28, $0x1;
	[dreg:$0x2] =	wrdreg s5  }
0xab: {  	[dreg:$0x3] =	wrdreg s6  }
0xac: {  	[dreg:$0x4] =	wrdreg $0xC0  }
0xad: {  	_ =	task [dreg:s9], $0x5FFFF  }
0xae: {  	[dreg:$0x1] =	wrdreg $0xFFFFFFFF  }
0xaf: {  	[dreg:$0x0] =	wrdreg $0x60  }
0xb0: {  	[dreg:$0x2] =	wrdreg s2  }
0xb1: {  	[dreg:$0x3] =	wrdreg s19  }
0xb2: {  	[dreg:$0x4] =	wrdreg s4  }
0xb3: {  	[dreg:$0x5] =	wrdreg $0xCA000  }
0xb4: {  	[dreg:$0x6] =	wrdreg $0x9  }
0xb5: {  	_ =	task.clear_ibuf [dreg:s9], $0x7FFFF;
	_ =	strace $0x90000046  }
0xb6: {  	s29 =	simm.s32 $0x9;
	_ =	strace $0x80000048  }
0xb7: {  	_ =	swait.ge [sflag:s29], $0x1  }
0xb8: {  	[sflag:s29] =	ssyncadd.s32 $0xFFFFFFFF  }
0xb9: {  	_ =	strace $0x90000048  }
0xba: {  	_ =	sfence  }
0xbb: {  	s30 =	sld [smem:$0x0];
	_ =	sdelay $0x2  }
0xbc: {  	s31 =	sshll.u32 s1, $0xD;
	s1 =	sshrl.u32 s1, $0x2  }
0xbd: {  	s3 =	sand.u32 $0x4000, s31;
	s1 =	sadd.s32 s1, s30  }
0xbe: {  	s0 =	sor.u32 s3, s0;
	s1 =	sshll.u32 s1, $0x11  }
0xbf: {  	s0 =	sor.u32 s1, s0  }
0xc0: {  	s0 =	sadd.s32 $0x8F2B, s0  }
0xc1: {  	[sflag:s0] =	ssyncadd.remote.s32 $0x1  }
0xc2: {  	_ =	sfence.sel $0xFFFF  }
0xc3: {  	[dreg:$0x0] =	wrdreg $0xFFFFFFFF;
	(pc) =	sbr.abs _section_cstart, $3  }
0xc4: {  	[dreg:$0x1] =	wrdreg $0xFFFFFFFF  }
0xc5: {  	_ =	task.clear_ibuf [dreg:s9], $0x2FFFF;
	_ =	strace $0x9FFFFFFF  }
0xc6: {  	(tm) =	ssettm $0x7FFFFFFF  }
0xc7: {  	_ =	shalt  }
tec
execute0_lowered:
.L_overlay_start_1:
0x0: {  	(tag) =	ssettag $0x1  }
0x1: {  	s13 =	rddreg [dreg:$0x0]  }
0x2: {  	s6 =	rddreg [dreg:$0x1]  }
0x3: {  	s1 =	srdreg.scid;
	s12 =	rddreg [dreg:$0x2]  }
0x4: {  	s0 =	stileid.u32;
	s2 =	rddreg [dreg:$0x3];
	s3 =	simm.s32 $0x0  }
0x5: {  	s18 =	simm.s32 $0x200;
	s19 =	simm.s32 $0x6;
	s20 =	simm.s32 $0x6600  }
0x6: {  	s21 =	simm.s32 $0x1;
	s22 =	simm.s32 $0x3;
	s23 =	simm.s32 $0x2  }
0x7: {  	s24 =	simm.s32 $0x4;
	s11 =	sand.u32 $0x1, s1;
	s1 =	rddreg [dreg:$0x4]  }
0x8: {  	s25 =	sshll.u32 s0, $0x1;
	[smem:$0x7FF] =	sst s3;
	s14 =	smul.u32 $0xC800, s0  }
0x9: {  	s26 =	sshll.u32 s0, $0x10;
	s28 =	sshll.u32 s0, $0xD;
	s17 =	smul.u32 $0xC8000, s0  }
0xa: {  	s29 =	sshll.u32 s0, $0x6;
	s5 =	sor.u32 s11, s25;
	s16 =	smul.u32 $0x6400, s11  }
0xb: {  	s7 =	ssub.s32 $0x2, s11;
	_ =	strace $0x80000047;
	s11 =	smul.u32 $0x64000, s11  }
0xc: {  	s15 =	sadd.s32 s26, s2;
	s6 =	sadd.s32 s6, s28;
	s4 =	smul.u32 $0x6400, s5  }
0xd: {  	s25 =	simm.s32 $0x0;
	s8 =	sshrl.u32 s7, $0x1;
	s9 =	smul.u32 $0x320000, s5  }
0xe: {  	s15 =	sshrl.u32 s15, $0x3;
	s10 =	ssub.s32 s7, s8;
	s7 =	sor.u32 $0x1C07, s29  }
0xf: {  	s14 =	sadd.s32 s16, s14;
	s4 =	sshrl.u32 s4, $0x3;
	s30 =	sshrl.u32 s9, $0x3  }
0x10: {  	s10 =	smax.u32 s10, $0x1;
	s16 =	sor.u32 $0x258, s14;
	s14 =	sor.u32 $0x190, s14  }
0x11: {  	s4 =	sadd.s32 s13, s4;
	s9 =	sadd.s32 s12, s30;
	s12 =	sadd.s32 s17, s12  }
0x12: {  	s31 =	sshrl.u32 s16, $0x3;
	s14 =	sshrl.u32 s14, $0x3;
	s16 =	simm.s32 $0x7  }
0x13: {  	s17 =	simm.s32 $0x5;
	s5 =	sadd.s32 $0x19, s4;
	s8 =	sadd.s32 $0x62700, s9  }
0x14: {  	s9 =	sadd.s32 $0x63380, s9;
	s11 =	sadd.s32 s11, s12;
	s12 =	sadd.s32 s31, s13  }
0x15: {  	s13 =	sadd.s32 s14, s13;
	s14 =	simm.s32 $0xC8;
	s11 =	sadd.s32 $0xC80, s11  }
.LBB2_1:
0x16: {  	[tilespmem:s3], [sflag:$0x5] =	stream.linear.gather [hbm4b:s4+s3], $0xC8, $0x38;
	[tilespmem:$0x1CA00] =	vst v63  }
0x17: {  	_ = 	snop  }
0x18: {  	[tilespmem:s14], [sflag:$0x6] =	stream.linear.gather [hbm4b:s5+s3], $0xC8, $0x38;
	[tilespmem:$0x1CA00] =	vst v63  }
0x19: {  	[spmem:s15], [sflag:s7] =	dma.local [hbm:s6], $0x2000  }
0x1a: {  	_ =	swait.ge [sflag:s16], $0x2000  }
0x1b: {  	[sflag:s16] =	ssyncset.done $0x0  }
0x1c: {  	[sflag:s16] =	ssyncadd.s32 $0xFFFFE000  }
0x1d: {  	[bflag:$0x0] =	sbarrier.arrive $0xFFFF  }
0x1e: {  	_ =	swait.ge [sflag:s17], $0xC8  }
0x1f: {  	[sflag:s17] =	ssyncset.done $0x0  }
0x20: {  	[sflag:s17] =	ssyncadd.s32 $0xFFFFFF38  }
0x21: {  	[tilespmem:s18], [sflag:$0x1] =	stream.indirect.gather [spmem:s2], $0x80, s3, s14, $0xb8;
	[tilespmem:$0x1CA00] =	vst v63  }
0x22: {  	_ =	swait.ge [sflag:s19], $0xC8  }
0x23: {  	[sflag:s19] =	ssyncset.done $0x0  }
0x24: {  	[sflag:s19] =	ssyncadd.s32 $0xFFFFFF38  }
0x25: {  	[tilespmem:s20], [sflag:$0x2] =	stream.indirect.gather [spmem:s2], $0x80, s14, s14, $0xb8;
	[tilespmem:$0x1CA00] =	vst v63  }
0x26: {  	_ =	swait.ge [sflag:s21], $0x6400  }
0x27: {  	[sflag:s21] =	ssyncset.done $0x0  }
0x28: {  	s26 =	sadd.s32 $0x0, s13;
	[sflag:s21] =	ssyncadd.s32 $0xFFFF9C00  }
0x29: {  	[tilespmem:s3], [sflag:$0x5] =	stream.linear.gather [hbm4b:s26+s3], $0xC8, $0x38;
	[tilespmem:$0x1CA00] =	vst v63  }
0x2a: {  	s30 =	sadd.s32 $0xFFFFF380, s11  }
0x2b: {  	[hbm4b:s30+s3] =	stream.linear.scatter [tilespmem:s18], [sflag:$0x3], $0x6400, $0x38;
	[tilespmem:$0x1CA00] =	vst v63  }
0x2c: {  	_ =	swait.ge [sflag:s22], $0x6400  }
0x2d: {  	[sflag:s22] =	ssyncset.done $0x0  }
0x2e: {  	[sflag:s22] =	ssyncadd.s32 $0xFFFF9C00  }
0x2f: {  	_ =	swait.ge [sflag:s17], $0xC8  }
0x30: {  	[sflag:s17] =	ssyncset.done $0x0  }
0x31: {  	[sflag:s17] =	ssyncadd.s32 $0xFFFFFF38  }
0x32: {  	[tilespmem:s18], [sflag:$0x1] =	stream.indirect.gather [spmem:s2], $0x80, s3, s14, $0xb8;
	[tilespmem:$0x1CA00] =	vst v63  }
0x33: {  	_ =	swait.ge [sflag:s23], $0x6400  }
0x34: {  	[sflag:s23] =	ssyncset.done $0x0  }
0x35: {  	s31 =	sadd.s32 $0x0, s12;
	[sflag:s23] =	ssyncadd.s32 $0xFFFF9C00  }
0x36: {  	[tilespmem:s14], [sflag:$0x6] =	stream.linear.gather [hbm4b:s31+s3], $0xC8, $0x38;
	[tilespmem:$0x1CA00] =	vst v63  }
0x37: {  	_ = 	snop  }
0x38: {  	[hbm4b:s11+s3] =	stream.linear.scatter [tilespmem:s20], [sflag:$0x4], $0x6400, $0x38;
	[tilespmem:$0x1CA00] =	vst v63  }
0x39: {  	_ =	swait.ge [sflag:s24], $0x6400  }
0x3a: {  	[sflag:s24] =	ssyncset.done $0x0  }
0x3b: {  	[sflag:s24] =	ssyncadd.s32 $0xFFFF9C00  }
0x3c: {  	_ =	swait.ge [sflag:s19], $0xC8  }
0x3d: {  	[sflag:s19] =	ssyncset.done $0x0  }
0x3e: {  	s28 =	sadd.s32 $0x1900, s11;
	s26 =	simm.s32 $0x32;
	[sflag:s19] =	ssyncadd.s32 $0xFFFFFF38  }
.LBB2_2:
0x3f: {  	[tilespmem:s20], [sflag:$0x2] =	stream.indirect.gather [spmem:s2], $0x80, s14, s14, $0xb8;
	[tilespmem:$0x1CA00] =	vst v63  }
0x40: {  	s29 =	smov.u32 s26  }
0x41: {  	p0 =	sne.s32 s26, $0xC1C;
	s26 =	sadd.s32 $0x32, s26;
	_ =	swait.ge [sflag:s21], $0x6400  }
0x42: {  	[sflag:s21] =	ssyncset.done $0x0  }
0x43: {  	s30 =	sadd.s32 s29, s13;
	[sflag:s21] =	ssyncadd.s32 $0xFFFF9C00  }
0x44: {  	[tilespmem:s3], [sflag:$0x5] =	stream.linear.gather [hbm4b:s30+s3], $0xC8, $0x38;
	[tilespmem:$0x1CA00] =	vst v63  }
0x45: {  	s30 =	sadd.s32 $0xFFFFF380, s28  }
0x46: {  	[hbm4b:s30+s3] =	stream.linear.scatter [tilespmem:s18], [sflag:$0x3], $0x6400, $0x38;
	[tilespmem:$0x1CA00] =	vst v63  }
0x47: {  	_ =	swait.ge [sflag:s22], $0x6400  }
0x48: {  	[sflag:s22] =	ssyncset.done $0x0  }
0x49: {  	[sflag:s22] =	ssyncadd.s32 $0xFFFF9C00  }
0x4a: {  	_ =	swait.ge [sflag:s17], $0xC8  }
0x4b: {  	[sflag:s17] =	ssyncset.done $0x0  }
0x4c: {  	[sflag:s17] =	ssyncadd.s32 $0xFFFFFF38  }
0x4d: {  	[tilespmem:s18], [sflag:$0x1] =	stream.indirect.gather [spmem:s2], $0x80, s3, s14, $0xb8;
	[tilespmem:$0x1CA00] =	vst v63  }
0x4e: {  	_ =	swait.ge [sflag:s23], $0x6400  }
0x4f: {  	[sflag:s23] =	ssyncset.done $0x0  }
0x50: {  	s29 =	sadd.s32 s29, s12;
	[sflag:s23] =	ssyncadd.s32 $0xFFFF9C00  }
0x51: {  	[tilespmem:s14], [sflag:$0x6] =	stream.linear.gather [hbm4b:s29+s3], $0xC8, $0x38;
	[tilespmem:$0x1CA00] =	vst v63  }
0x52: {  	_ = 	snop  }
0x53: {  	[hbm4b:s28+s3] =	stream.linear.scatter [tilespmem:s20], [sflag:$0x4], $0x6400, $0x38;
	[tilespmem:$0x1CA00] =	vst v63  }
0x54: {  	_ =	swait.ge [sflag:s24], $0x6400  }
.Ltmp0:
0x55: {  	[sflag:s24] =	ssyncset.done $0x0;
	(pc) =	sbr.rel @p0 .LBB2_2-.Ltmp0, $4  }
0x56: {  	[sflag:s24] =	ssyncadd.s32 $0xFFFF9C00  }
0x57: {  	_ =	swait.ge [sflag:s19], $0xC8  }
0x58: {  	[sflag:s19] =	ssyncset.done $0x0  }
0x59: {  	s28 =	sadd.s32 $0x1900, s28;
	[sflag:s19] =	ssyncadd.s32 $0xFFFFFF38  }
0x5a: {  	[tilespmem:s20], [sflag:$0x2] =	stream.indirect.gather [spmem:s2], $0x80, s14, s14, $0xb8;
	[tilespmem:$0x1CA00] =	vst v63  }
0x5b: {  	_ =	swait.ge [sflag:s21], $0x6400  }
0x5c: {  	[sflag:s21] =	ssyncset.done $0x0  }
0x5d: {  	[sflag:s21] =	ssyncadd.s32 $0xFFFF9C00  }
0x5e: {  	[hbm4b:s8+s3] =	stream.linear.scatter [tilespmem:s18], [sflag:$0x3], $0x6400, $0x38;
	[tilespmem:$0x1CA00] =	vst v63  }
0x5f: {  	_ =	swait.ge [sflag:s22], $0x6400  }
0x60: {  	[sflag:s22] =	ssyncset.done $0x0  }
0x61: {  	[sflag:s22] =	ssyncadd.s32 $0xFFFF9C00  }
0x62: {  	s25 =	sadd.s32 $0x1, s25;
	_ =	swait.ge [sflag:s23], $0x6400  }
0x63: {  	p0 =	sne.s32 s25, s10;
	[sflag:s23] =	ssyncset.done $0x0  }
.Ltmp1:
0x64: {  	[sflag:s23] =	ssyncadd.s32 $0xFFFF9C00;
	(pc) =	sbr.rel @p0 .LBB2_1-.Ltmp1, $4  }
0x65: {  	[hbm4b:s9+s3] =	stream.linear.scatter [tilespmem:s20], [sflag:$0x4], $0x6400, $0x38;
	[tilespmem:$0x1CA00] =	vst v63  }
0x66: {  	_ =	swait.ge [sflag:s24], $0x6400  }
0x67: {  	[sflag:s24] =	ssyncset.done $0x0  }
0x68: {  	[sflag:s24] =	ssyncadd.s32 $0xFFFF9C00  }
0x69: {  	_ =	sfence.sel $0x180000  }
0x6a: {  	[bflag:$0x0] =	sbarrier.arrive $0xFFFF  }
0x6b: {  	p0 =	sne.s32 s0, $0x0;
	_ =	strace $0x90000047  }
0x6c: {  	s0 =	sadd.s32 @!p0 $0x100000, s1;
	[bflag:$0x2] =	sbarrier.arrive $0xFFFF  }
0x6d: {  	[sflag:s0] =	ssyncadd.tile.s32 @!p0 $0x1;
	_ =	shalt  }
.Lfunc_end2:
_tile_overlayer_lowered:
.L_overlay_start_2:
0x6e: {  	(tag) =	ssettag $0x2  }
0x6f: {  	s0 =	rddreg [dreg:$0x0];
	s2 =	stileid.u32  }
0x70: {  	s1 =	rddreg [dreg:$0x1];
	p0 =	sne.s32 s2, $0x0  }
0x71: {  	s3 =	rddreg [dreg:$0x2];
	[bflag:$0x3] =	sbarrier.arrive $0xFFFF;
	s2 =	simm.s32 @!p0 $0x1C07  }
0x72: {  	[timem:s3], [sflag:s2] =	dma.local @!p0 [hbm:s0], s1  }
0x73: {  	s0 =	simm.s32 @!p0 $0x7  }
0x74: {  	_ =	swait.ge @!p0 [sflag:s0], s1  }
0x75: {  	s1 =	ssub.s32 @!p0 $0x0, s1;
	[sflag:s0] =	ssyncset.done @!p0 $0x0  }
0x76: {  	[sflag:s0] =	ssyncadd.s32 @!p0 s1  }
0x77: {  	[bflag:$0x3] =	sbarrier.arrive $0xFFFF  }
0x78: {  	_ =	shalt  }

</sc_bundles>
